<compile_context>
chip_gen: v7x
topology: tpu7x:2x2x1
jax: 0.10.2.dev20260603
libtpu: 0.0.44.dev20260713+nightly
codegen_flags: <defaults>
</compile_context>

<pallas_src>
import functools

import jax
import jax.numpy as jnp
from jax import lax
from jax.experimental import pallas as pl
from jax.experimental.pallas import tpu as pltpu
from jax.experimental.pallas import tpu_sc as plsc

D = 768
N_EXP = 8
TOP_K = 2
N_TOK = 2048
CAP = 640
N_SLOT = N_EXP * CAP
SENTINEL = N_SLOT

TB = 256
STEPS = N_TOK // TB

NC, NS, L = 2, 16, 16
NW = NC * NS
ROWS_PER_W = N_SLOT // NW
GCHUNK = ROWS_PER_W // 2
ZROW = N_TOK
NPAD = 256
MAP_PAD = N_SLOT + 512
A_PER_S = N_TOK * TOP_K // NS


def _tc_body(x_ref, w_ref, gates_ref, slots_ref, mask_ref, xaug_ref, off_ref):
    step = pl.program_id(0)

    @pl.when(step == 0)
    def _():
        off_ref[...] = jnp.zeros((1, N_EXP), jnp.int32)

    x = x_ref[...]
    w = w_ref[...]

    xaug_ref[...] = jnp.where(step < STEPS, x, 0.0)

    @pl.when(step < STEPS)
    def _router_and_mask():
        _tc_router_block(x, w, gates_ref, slots_ref, mask_ref, off_ref)


def _tc_router_block(x, w, gates_ref, slots_ref, mask_ref, off_ref):
    logits = lax.dot_general(
        x.astype(jnp.bfloat16), w.astype(jnp.bfloat16),
        (((1,), (1,)), ((), ())),
        preferred_element_type=jnp.float32,
    )

    ioe = lax.broadcasted_iota(jnp.int32, (TB, N_EXP), 1)
    m0 = jnp.max(logits, axis=1, keepdims=True)
    idx0 = jnp.min(jnp.where(logits == m0, ioe, N_EXP), axis=1, keepdims=True)
    l2 = jnp.where(ioe == idx0, -jnp.inf, logits)
    m1 = jnp.max(l2, axis=1, keepdims=True)
    idx1 = jnp.min(jnp.where(l2 == m1, ioe, N_EXP), axis=1, keepdims=True)

    e1 = jnp.exp(m1 - m0)
    denom = 1.0 + e1
    g0 = 1.0 / denom
    g1 = e1 / denom

    onehot0 = ioe == idx0
    onehot1 = ioe == idx1
    cnt = onehot0.astype(jnp.int32) + onehot1.astype(jnp.int32)

    c = cnt
    d = 1
    while d < TB:
        c = c + jnp.concatenate(
            [jnp.zeros((d, N_EXP), jnp.int32), c[: TB - d, :]], axis=0)
        d *= 2
    off = off_ref[...]
    excl = c - cnt + off

    pos0 = jnp.sum(jnp.where(onehot0, excl, 0), axis=1, keepdims=True)
    pos1 = jnp.sum(jnp.where(onehot1, excl, 0), axis=1, keepdims=True)
    slot0 = jnp.where(pos0 < CAP, idx0 * CAP + pos0, SENTINEL)
    slot1 = jnp.where(pos1 < CAP, idx1 * CAP + pos1, SENTINEL)

    gates_ref[...] = jnp.concatenate([g0, g1], axis=1)
    slots_ref[...] = jnp.concatenate([slot0, slot1], axis=1)

    col = (lax.broadcasted_iota(jnp.int32, (TB, N_EXP, CAP), 1) * CAP
           + lax.broadcasted_iota(jnp.int32, (TB, N_EXP, CAP), 2))
    s0 = slot0.reshape(TB, 1, 1)
    s1 = slot1.reshape(TB, 1, 1)
    mask_ref[...] = (
        jnp.where(col == s0, g0.reshape(TB, 1, 1), 0.0)
        + jnp.where(col == s1, g1.reshape(TB, 1, 1), 0.0))

    off_ref[...] = off + jnp.sum(cnt, axis=0, keepdims=True)


def _tc_router(x_flat, w_gate):
    clamp = lambda t: jnp.minimum(t, STEPS - 1)
    return pl.pallas_call(
        _tc_body,
        grid=(STEPS + 1,),
        in_specs=[
            pl.BlockSpec((TB, D), lambda t: (jnp.minimum(t, STEPS - 1), 0)),
            pl.BlockSpec((N_EXP, D), lambda t: (0, 0)),
        ],
        out_specs=[
            pl.BlockSpec((TB, TOP_K), lambda t: (clamp(t), 0)),
            pl.BlockSpec((TB, TOP_K), lambda t: (clamp(t), 0)),
            pl.BlockSpec((TB, N_EXP, CAP), lambda t: (clamp(t), 0, 0)),
            pl.BlockSpec((TB, D), lambda t: (t, 0)),
        ],
        out_shape=[
            jax.ShapeDtypeStruct((N_TOK, TOP_K), jnp.float32),
            jax.ShapeDtypeStruct((N_TOK, TOP_K), jnp.int32),
            jax.ShapeDtypeStruct((N_TOK, N_EXP, CAP), jnp.float32),
            jax.ShapeDtypeStruct((N_TOK + NPAD, D), jnp.float32),
        ],
        scratch_shapes=[pltpu.VMEM((1, N_EXP), jnp.int32)],
    )(x_flat, w_gate)


def _sc_gather_body(x_hbm, slots_hbm, out_hbm,
                    shared_map, zbuf, tokbufs, idxbufs, gidx, gbufs,
                    gsem, wsem):
    cid = lax.axis_index("c")
    sid = lax.axis_index("s")
    wid = sid * NC + cid
    lane = lax.broadcasted_iota(jnp.int32, (L,), 0)

    zchunk = MAP_PAD // NS
    for m in range(zchunk // L):
        base = sid * zchunk + m * L
        zbuf[pl.ds(m * L, L)] = ZROW + ((base + lane) & (NPAD - 1))
    pltpu.sync_copy(zbuf, shared_map.at[pl.ds(sid * zchunk, zchunk)])

    for j in range(A_PER_S // 128):
        for m in range(128 // L):
            base = sid * A_PER_S + j * 128 + m * L
            tokbufs[j][pl.ds(m * L, L)] = lax.shift_right_logical(
                base + lane, 1)
        pltpu.sync_copy(
            slots_hbm.at[pl.ds(sid * A_PER_S + j * 128, 128)], idxbufs[j])

    plsc.subcore_barrier()
    for j in range(A_PER_S // 128):
        pltpu.sync_copy(tokbufs[j], shared_map.at[idxbufs[j]])
    plsc.subcore_barrier()

    base = wid * ROWS_PER_W
    for h in range(2):
        pltpu.sync_copy(
            shared_map.at[pl.ds(base + h * GCHUNK, GCHUNK)], gidx[h])
    g0 = pltpu.async_copy(x_hbm.at[gidx[0]], gbufs[0], gsem[0])
    g1 = pltpu.async_copy(x_hbm.at[gidx[1]], gbufs[1], gsem[1])
    g0.wait()
    w0 = pltpu.async_copy(gbufs[0], out_hbm.at[pl.ds(base, GCHUNK)], wsem[0])
    g1.wait()
    w1 = pltpu.async_copy(
        gbufs[1], out_hbm.at[pl.ds(base + GCHUNK, GCHUNK)], wsem[1])
    w0.wait()
    w1.wait()


@functools.cache
def _sc_dispatch():
    return pl.kernel(
        _sc_gather_body,
        out_type=jax.ShapeDtypeStruct((N_SLOT, D), jnp.float32),
        mesh=plsc.VectorSubcoreMesh(core_axis_name="c", subcore_axis_name="s"),
        compiler_params=pltpu.CompilerParams(needs_layout_passes=False),
        scratch_types=[
            pltpu.VMEM_SHARED((MAP_PAD,), jnp.int32),
            pltpu.VMEM((MAP_PAD // NS,), jnp.int32),
            [pltpu.VMEM((128,), jnp.int32) for _ in range(A_PER_S // 128)],
            [pltpu.VMEM((128,), jnp.int32) for _ in range(A_PER_S // 128)],
            [pltpu.VMEM((GCHUNK,), jnp.int32) for _ in range(2)],
            [pltpu.VMEM((GCHUNK, D), jnp.float32) for _ in range(2)],
            [pltpu.SemaphoreType.DMA for _ in range(2)],
            [pltpu.SemaphoreType.DMA for _ in range(2)],
        ],
    )


def kernel(x, W_gate):
    x_flat = x.reshape(N_TOK, D)
    gates, slots, exp_mask, x_aug = _tc_router(x_flat, W_gate)
    exp_batches = _sc_dispatch()(x_aug, slots.reshape(N_TOK * TOP_K))
    return (gates, exp_mask, exp_batches.reshape(N_EXP, CAP, D))

# --- scband reference (transcript-rebuilt; emitter-appended) ---
"""Pipeline reference for scband-router-53077205843992 (READ-ONLY COPY).

The authoritative reference and input builder live on the scoring server;
editing this copy changes nothing except your own understanding.
"""

import jax, jax.numpy as jnp
import numpy as np

D = 768
N_EXP = 8
TOP_K = 2
CAP_FACTOR = 1.25
B = 1
S = 2048


def setup_inputs(seed: int = 0) -> dict:
    key = jax.random.key(seed)
    k1, k2 = jax.random.split(key)
    x = jax.random.normal(k1, (B, S, D), dtype=jnp.float32)
    # nn.Linear(d, n_exp, bias=False) weight has shape [n_exp, d]
    W_gate = jax.random.normal(k2, (N_EXP, D), dtype=jnp.float32) * (1.0 / np.sqrt(D))
    return {"x": x, "W_gate": W_gate}


def reference(x, W_gate):
    Bc, C, d = x.shape
    N = Bc * C
    x_flat = x.reshape(N, d)
    logits = x_flat @ W_gate.T  # [N, n_exp]
    # eval mode: noisy top-k noise is skipped (self.training == False)
    top_k_logits, top_k_indices = jax.lax.top_k(logits, TOP_K)
    top_k_gates = jax.nn.softmax(top_k_logits, axis=-1)  # [N, top_k]

    exp_capacity = int(N * TOP_K * CAP_FACTOR / N_EXP)

    # Flatten assignments in token-major, k-minor order, matching the torch loop order.
    flat_e = top_k_indices.reshape(-1)  # [N*top_k]
    flat_gates = top_k_gates.reshape(-1)  # [N*top_k]
    token_ids = jnp.repeat(jnp.arange(N), TOP_K)  # [N*top_k]

    # Position within each expert buffer = number of prior occurrences of that expert.
    # Once an expert overflows capacity, all subsequent assignments to it also have
    # pos >= capacity, matching the torch first-come-first-served drop semantics.
    onehot = jax.nn.one_hot(flat_e, N_EXP, dtype=jnp.int32)  # [N*top_k, n_exp]
    cum = jnp.cumsum(onehot, axis=0)
    pos = jnp.take_along_axis(cum, flat_e[:, None], axis=1)[:, 0] - 1  # [N*top_k]

    exp_mask = jnp.zeros((N, N_EXP, exp_capacity), dtype=jnp.float32)
    exp_mask = exp_mask.at[token_ids, flat_e, pos].set(flat_gates, mode="drop")

    exp_batches = jnp.zeros((N_EXP, exp_capacity, d), dtype=jnp.float32)
    exp_batches = exp_batches.at[flat_e, pos].set(x_flat[token_ids], mode="drop")

    return (top_k_gates, exp_mask, exp_batches)

if __name__ == "__main__":
    import jax
    _d = setup_inputs()
    print(jax.jit(kernel)(*tuple(_d.values())))

</pallas_src>

<mosaic_0001>
#map = affine_map<(d0, d1) -> (0, 0)>
#map1 = affine_map<(d0, d1) -> (0)>
module attributes {stable_mosaic.version = 14 : i64} {
  func.func @_sc_gather_body(%arg0: i32, %arg1: i32, %arg2: memref<2304x768xf32, #tpu.memory_space<hbm>>, %arg3: memref<4096xi32, #tpu.memory_space<hbm>>, %arg4: memref<5120x768xf32, #tpu.memory_space<hbm>>, %arg5: memref<5632xi32, #tpu.memory_space<vmem_shared>>, %arg6: memref<352xi32, #tpu.memory_space<vmem>>, %arg7: memref<128xi32, #tpu.memory_space<vmem>>, %arg8: memref<128xi32, #tpu.memory_space<vmem>>, %arg9: memref<128xi32, #tpu.memory_space<vmem>>, %arg10: memref<128xi32, #tpu.memory_space<vmem>>, %arg11: memref<80xi32, #tpu.memory_space<vmem>>, %arg12: memref<80xi32, #tpu.memory_space<vmem>>, %arg13: memref<80x768xf32, #tpu.memory_space<vmem>>, %arg14: memref<80x768xf32, #tpu.memory_space<vmem>>, %arg15: memref<!tpu.dma_semaphore, #tpu.memory_space<semaphore_mem>>, %arg16: memref<!tpu.dma_semaphore, #tpu.memory_space<semaphore_mem>>, %arg17: memref<!tpu.dma_semaphore, #tpu.memory_space<semaphore_mem>>, %arg18: memref<!tpu.dma_semaphore, #tpu.memory_space<semaphore_mem>>) attributes {dimension_semantics = [#tpu.dimension_semantics<core_parallel>, #tpu.dimension_semantics<subcore_parallel>], iteration_bounds = array<i64: 2, 16>, scalar_prefetch = 0 : i64, scratch_operands = 14 : i64, tpu.core_type = #tpu.core_type<sc_vector_subcore>, window_params = [{transform_indices = #map}, {transform_indices = #map1}, {transform_indices = #map}]} {
    %mul3A = arith.constant 2 : i32
    %mul3A_0 = arith.muli %arg1, %mul3A : i32
    %add3A = arith.addi %mul3A_0, %arg0 : i32
    %iota3A = tpu.iota {dimensions = array<i32: 0>} : vector<16xi32>
    %mul3A_1 = arith.constant 352 : i32
    %mul3A_2 = arith.muli %arg1, %mul3A_1 : i32
    %add3A_3 = arith.constant 0 : i32
    %add3A_4 = arith.addi %mul3A_2, %add3A_3 : i32
    %add3A_5 = vector.broadcast %add3A_4 : i32 to vector<16xi32>
    %add3A_6 = arith.addi %add3A_5, %iota3A : vector<16xi32>
    %and3A = arith.constant 255 : i32
    %and3A_7 = vector.broadcast %and3A : i32 to vector<16xi32>
    %and3A_8 = arith.andi %add3A_6, %and3A_7 : vector<16xi32>
    %add3A_9 = arith.constant 2048 : i32
    %add3A_10 = vector.broadcast %add3A_9 : i32 to vector<16xi32>
    %add3A_11 = arith.addi %add3A_10, %and3A_8 : vector<16xi32>
    %swap3A = arith.constant 0 : index
    %swap3A_12 = tpu.vector_load %arg6[%swap3A] {strides = array<i32>} : memref<352xi32, #tpu.memory_space<vmem>>, vector<16xi32>,
    tpu.vector_store %arg6[%swap3A], %add3A_11 {strides = array<i32>} : memref<352xi32, #tpu.memory_space<vmem>>, vector<16xi32>,
    %mul3A_13 = arith.constant 352 : i32
    %mul3A_14 = arith.muli %arg1, %mul3A_13 : i32
    %add3A_15 = arith.constant 16 : i32
    %add3A_16 = arith.addi %mul3A_14, %add3A_15 : i32
    %add3A_17 = vector.broadcast %add3A_16 : i32 to vector<16xi32>
    %add3A_18 = arith.addi %add3A_17, %iota3A : vector<16xi32>
    %and3A_19 = arith.constant 255 : i32
    %and3A_20 = vector.broadcast %and3A_19 : i32 to vector<16xi32>
    %and3A_21 = arith.andi %add3A_18, %and3A_20 : vector<16xi32>
    %add3A_22 = arith.constant 2048 : i32
    %add3A_23 = vector.broadcast %add3A_22 : i32 to vector<16xi32>
    %add3A_24 = arith.addi %add3A_23, %and3A_21 : vector<16xi32>
    %swap3A_25 = arith.constant 16 : index
    %swap3A_26 = tpu.vector_load %arg6[%swap3A_25] {strides = array<i32>} : memref<352xi32, #tpu.memory_space<vmem>>, vector<16xi32>,
    tpu.vector_store %arg6[%swap3A_25], %add3A_24 {strides = array<i32>} : memref<352xi32, #tpu.memory_space<vmem>>, vector<16xi32>,
    %mul3A_27 = arith.constant 352 : i32
    %mul3A_28 = arith.muli %arg1, %mul3A_27 : i32
    %add3A_29 = arith.constant 32 : i32
    %add3A_30 = arith.addi %mul3A_28, %add3A_29 : i32
    %add3A_31 = vector.broadcast %add3A_30 : i32 to vector<16xi32>
    %add3A_32 = arith.addi %add3A_31, %iota3A : vector<16xi32>
    %and3A_33 = arith.constant 255 : i32
    %and3A_34 = vector.broadcast %and3A_33 : i32 to vector<16xi32>
    %and3A_35 = arith.andi %add3A_32, %and3A_34 : vector<16xi32>
    %add3A_36 = arith.constant 2048 : i32
    %add3A_37 = vector.broadcast %add3A_36 : i32 to vector<16xi32>
    %add3A_38 = arith.addi %add3A_37, %and3A_35 : vector<16xi32>
    %swap3A_39 = arith.constant 32 : index
    %swap3A_40 = tpu.vector_load %arg6[%swap3A_39] {strides = array<i32>} : memref<352xi32, #tpu.memory_space<vmem>>, vector<16xi32>,
    tpu.vector_store %arg6[%swap3A_39], %add3A_38 {strides = array<i32>} : memref<352xi32, #tpu.memory_space<vmem>>, vector<16xi32>,
    %mul3A_41 = arith.constant 352 : i32
    %mul3A_42 = arith.muli %arg1, %mul3A_41 : i32
    %add3A_43 = arith.constant 48 : i32
    %add3A_44 = arith.addi %mul3A_42, %add3A_43 : i32
    %add3A_45 = vector.broadcast %add3A_44 : i32 to vector<16xi32>
    %add3A_46 = arith.addi %add3A_45, %iota3A : vector<16xi32>
    %and3A_47 = arith.constant 255 : i32
    %and3A_48 = vector.broadcast %and3A_47 : i32 to vector<16xi32>
    %and3A_49 = arith.andi %add3A_46, %and3A_48 : vector<16xi32>
    %add3A_50 = arith.constant 2048 : i32
    %add3A_51 = vector.broadcast %add3A_50 : i32 to vector<16xi32>
    %add3A_52 = arith.addi %add3A_51, %and3A_49 : vector<16xi32>
    %swap3A_53 = arith.constant 48 : index
    %swap3A_54 = tpu.vector_load %arg6[%swap3A_53] {strides = array<i32>} : memref<352xi32, #tpu.memory_space<vmem>>, vector<16xi32>,
    tpu.vector_store %arg6[%swap3A_53], %add3A_52 {strides = array<i32>} : memref<352xi32, #tpu.memory_space<vmem>>, vector<16xi32>,
    %mul3A_55 = arith.constant 352 : i32
    %mul3A_56 = arith.muli %arg1, %mul3A_55 : i32
    %add3A_57 = arith.constant 64 : i32
    %add3A_58 = arith.addi %mul3A_56, %add3A_57 : i32
    %add3A_59 = vector.broadcast %add3A_58 : i32 to vector<16xi32>
    %add3A_60 = arith.addi %add3A_59, %iota3A : vector<16xi32>
    %and3A_61 = arith.constant 255 : i32
    %and3A_62 = vector.broadcast %and3A_61 : i32 to vector<16xi32>
    %and3A_63 = arith.andi %add3A_60, %and3A_62 : vector<16xi32>
    %add3A_64 = arith.constant 2048 : i32
    %add3A_65 = vector.broadcast %add3A_64 : i32 to vector<16xi32>
    %add3A_66 = arith.addi %add3A_65, %and3A_63 : vector<16xi32>
    %swap3A_67 = arith.constant 64 : index
    %swap3A_68 = tpu.vector_load %arg6[%swap3A_67] {strides = array<i32>} : memref<352xi32, #tpu.memory_space<vmem>>, vector<16xi32>,
    tpu.vector_store %arg6[%swap3A_67], %add3A_66 {strides = array<i32>} : memref<352xi32, #tpu.memory_space<vmem>>, vector<16xi32>,
    %mul3A_69 = arith.constant 352 : i32
    %mul3A_70 = arith.muli %arg1, %mul3A_69 : i32
    %add3A_71 = arith.constant 80 : i32
    %add3A_72 = arith.addi %mul3A_70, %add3A_71 : i32
    %add3A_73 = vector.broadcast %add3A_72 : i32 to vector<16xi32>
    %add3A_74 = arith.addi %add3A_73, %iota3A : vector<16xi32>
    %and3A_75 = arith.constant 255 : i32
    %and3A_76 = vector.broadcast %and3A_75 : i32 to vector<16xi32>
    %and3A_77 = arith.andi %add3A_74, %and3A_76 : vector<16xi32>
    %add3A_78 = arith.constant 2048 : i32
    %add3A_79 = vector.broadcast %add3A_78 : i32 to vector<16xi32>
    %add3A_80 = arith.addi %add3A_79, %and3A_77 : vector<16xi32>
    %swap3A_81 = arith.constant 80 : index
    %swap3A_82 = tpu.vector_load %arg6[%swap3A_81] {strides = array<i32>} : memref<352xi32, #tpu.memory_space<vmem>>, vector<16xi32>,
    tpu.vector_store %arg6[%swap3A_81], %add3A_80 {strides = array<i32>} : memref<352xi32, #tpu.memory_space<vmem>>, vector<16xi32>,
    %mul3A_83 = arith.constant 352 : i32
    %mul3A_84 = arith.muli %arg1, %mul3A_83 : i32
    %add3A_85 = arith.constant 96 : i32
    %add3A_86 = arith.addi %mul3A_84, %add3A_85 : i32
    %add3A_87 = vector.broadcast %add3A_86 : i32 to vector<16xi32>
    %add3A_88 = arith.addi %add3A_87, %iota3A : vector<16xi32>
    %and3A_89 = arith.constant 255 : i32
    %and3A_90 = vector.broadcast %and3A_89 : i32 to vector<16xi32>
    %and3A_91 = arith.andi %add3A_88, %and3A_90 : vector<16xi32>
    %add3A_92 = arith.constant 2048 : i32
    %add3A_93 = vector.broadcast %add3A_92 : i32 to vector<16xi32>
    %add3A_94 = arith.addi %add3A_93, %and3A_91 : vector<16xi32>
    %swap3A_95 = arith.constant 96 : index
    %swap3A_96 = tpu.vector_load %arg6[%swap3A_95] {strides = array<i32>} : memref<352xi32, #tpu.memory_space<vmem>>, vector<16xi32>,
    tpu.vector_store %arg6[%swap3A_95], %add3A_94 {strides = array<i32>} : memref<352xi32, #tpu.memory_space<vmem>>, vector<16xi32>,
    %mul3A_97 = arith.constant 352 : i32
    %mul3A_98 = arith.muli %arg1, %mul3A_97 : i32
    %add3A_99 = arith.constant 112 : i32
    %add3A_100 = arith.addi %mul3A_98, %add3A_99 : i32
    %add3A_101 = vector.broadcast %add3A_100 : i32 to vector<16xi32>
    %add3A_102 = arith.addi %add3A_101, %iota3A : vector<16xi32>
    %and3A_103 = arith.constant 255 : i32
    %and3A_104 = vector.broadcast %and3A_103 : i32 to vector<16xi32>
    %and3A_105 = arith.andi %add3A_102, %and3A_104 : vector<16xi32>
    %add3A_106 = arith.constant 2048 : i32
    %add3A_107 = vector.broadcast %add3A_106 : i32 to vector<16xi32>
    %add3A_108 = arith.addi %add3A_107, %and3A_105 : vector<16xi32>
    %swap3A_109 = arith.constant 112 : index
    %swap3A_110 = tpu.vector_load %arg6[%swap3A_109] {strides = array<i32>} : memref<352xi32, #tpu.memory_space<vmem>>, vector<16xi32>,
    tpu.vector_store %arg6[%swap3A_109], %add3A_108 {strides = array<i32>} : memref<352xi32, #tpu.memory_space<vmem>>, vector<16xi32>,
    %mul3A_111 = arith.constant 352 : i32
    %mul3A_112 = arith.muli %arg1, %mul3A_111 : i32
    %add3A_113 = arith.constant 128 : i32
    %add3A_114 = arith.addi %mul3A_112, %add3A_113 : i32
    %add3A_115 = vector.broadcast %add3A_114 : i32 to vector<16xi32>
    %add3A_116 = arith.addi %add3A_115, %iota3A : vector<16xi32>
    %and3A_117 = arith.constant 255 : i32
    %and3A_118 = vector.broadcast %and3A_117 : i32 to vector<16xi32>
    %and3A_119 = arith.andi %add3A_116, %and3A_118 : vector<16xi32>
    %add3A_120 = arith.constant 2048 : i32
    %add3A_121 = vector.broadcast %add3A_120 : i32 to vector<16xi32>
    %add3A_122 = arith.addi %add3A_121, %and3A_119 : vector<16xi32>
    %swap3A_123 = arith.constant 128 : index
    %swap3A_124 = tpu.vector_load %arg6[%swap3A_123] {strides = array<i32>} : memref<352xi32, #tpu.memory_space<vmem>>, vector<16xi32>,
    tpu.vector_store %arg6[%swap3A_123], %add3A_122 {strides = array<i32>} : memref<352xi32, #tpu.memory_space<vmem>>, vector<16xi32>,
    %mul3A_125 = arith.constant 352 : i32
    %mul3A_126 = arith.muli %arg1, %mul3A_125 : i32
    %add3A_127 = arith.constant 144 : i32
    %add3A_128 = arith.addi %mul3A_126, %add3A_127 : i32
    %add3A_129 = vector.broadcast %add3A_128 : i32 to vector<16xi32>
    %add3A_130 = arith.addi %add3A_129, %iota3A : vector<16xi32>
    %and3A_131 = arith.constant 255 : i32
    %and3A_132 = vector.broadcast %and3A_131 : i32 to vector<16xi32>
    %and3A_133 = arith.andi %add3A_130, %and3A_132 : vector<16xi32>
    %add3A_134 = arith.constant 2048 : i32
    %add3A_135 = vector.broadcast %add3A_134 : i32 to vector<16xi32>
    %add3A_136 = arith.addi %add3A_135, %and3A_133 : vector<16xi32>
    %swap3A_137 = arith.constant 144 : index
    %swap3A_138 = tpu.vector_load %arg6[%swap3A_137] {strides = array<i32>} : memref<352xi32, #tpu.memory_space<vmem>>, vector<16xi32>,
    tpu.vector_store %arg6[%swap3A_137], %add3A_136 {strides = array<i32>} : memref<352xi32, #tpu.memory_space<vmem>>, vector<16xi32>,
    %mul3A_139 = arith.constant 352 : i32
    %mul3A_140 = arith.muli %arg1, %mul3A_139 : i32
    %add3A_141 = arith.constant 160 : i32
    %add3A_142 = arith.addi %mul3A_140, %add3A_141 : i32
    %add3A_143 = vector.broadcast %add3A_142 : i32 to vector<16xi32>
    %add3A_144 = arith.addi %add3A_143, %iota3A : vector<16xi32>
    %and3A_145 = arith.constant 255 : i32
    %and3A_146 = vector.broadcast %and3A_145 : i32 to vector<16xi32>
    %and3A_147 = arith.andi %add3A_144, %and3A_146 : vector<16xi32>
    %add3A_148 = arith.constant 2048 : i32
    %add3A_149 = vector.broadcast %add3A_148 : i32 to vector<16xi32>
    %add3A_150 = arith.addi %add3A_149, %and3A_147 : vector<16xi32>
    %swap3A_151 = arith.constant 160 : index
    %swap3A_152 = tpu.vector_load %arg6[%swap3A_151] {strides = array<i32>} : memref<352xi32, #tpu.memory_space<vmem>>, vector<16xi32>,
    tpu.vector_store %arg6[%swap3A_151], %add3A_150 {strides = array<i32>} : memref<352xi32, #tpu.memory_space<vmem>>, vector<16xi32>,
    %mul3A_153 = arith.constant 352 : i32
    %mul3A_154 = arith.muli %arg1, %mul3A_153 : i32
    %add3A_155 = arith.constant 176 : i32
    %add3A_156 = arith.addi %mul3A_154, %add3A_155 : i32
    %add3A_157 = vector.broadcast %add3A_156 : i32 to vector<16xi32>
    %add3A_158 = arith.addi %add3A_157, %iota3A : vector<16xi32>
    %and3A_159 = arith.constant 255 : i32
    %and3A_160 = vector.broadcast %and3A_159 : i32 to vector<16xi32>
    %and3A_161 = arith.andi %add3A_158, %and3A_160 : vector<16xi32>
    %add3A_162 = arith.constant 2048 : i32
    %add3A_163 = vector.broadcast %add3A_162 : i32 to vector<16xi32>
    %add3A_164 = arith.addi %add3A_163, %and3A_161 : vector<16xi32>
    %swap3A_165 = arith.constant 176 : index
    %swap3A_166 = tpu.vector_load %arg6[%swap3A_165] {strides = array<i32>} : memref<352xi32, #tpu.memory_space<vmem>>, vector<16xi32>,
    tpu.vector_store %arg6[%swap3A_165], %add3A_164 {strides = array<i32>} : memref<352xi32, #tpu.memory_space<vmem>>, vector<16xi32>,
    %mul3A_167 = arith.constant 352 : i32
    %mul3A_168 = arith.muli %arg1, %mul3A_167 : i32
    %add3A_169 = arith.constant 192 : i32
    %add3A_170 = arith.addi %mul3A_168, %add3A_169 : i32
    %add3A_171 = vector.broadcast %add3A_170 : i32 to vector<16xi32>
    %add3A_172 = arith.addi %add3A_171, %iota3A : vector<16xi32>
    %and3A_173 = arith.constant 255 : i32
    %and3A_174 = vector.broadcast %and3A_173 : i32 to vector<16xi32>
    %and3A_175 = arith.andi %add3A_172, %and3A_174 : vector<16xi32>
    %add3A_176 = arith.constant 2048 : i32
    %add3A_177 = vector.broadcast %add3A_176 : i32 to vector<16xi32>
    %add3A_178 = arith.addi %add3A_177, %and3A_175 : vector<16xi32>
    %swap3A_179 = arith.constant 192 : index
    %swap3A_180 = tpu.vector_load %arg6[%swap3A_179] {strides = array<i32>} : memref<352xi32, #tpu.memory_space<vmem>>, vector<16xi32>,
    tpu.vector_store %arg6[%swap3A_179], %add3A_178 {strides = array<i32>} : memref<352xi32, #tpu.memory_space<vmem>>, vector<16xi32>,
    %mul3A_181 = arith.constant 352 : i32
    %mul3A_182 = arith.muli %arg1, %mul3A_181 : i32
    %add3A_183 = arith.constant 208 : i32
    %add3A_184 = arith.addi %mul3A_182, %add3A_183 : i32
    %add3A_185 = vector.broadcast %add3A_184 : i32 to vector<16xi32>
    %add3A_186 = arith.addi %add3A_185, %iota3A : vector<16xi32>
    %and3A_187 = arith.constant 255 : i32
    %and3A_188 = vector.broadcast %and3A_187 : i32 to vector<16xi32>
    %and3A_189 = arith.andi %add3A_186, %and3A_188 : vector<16xi32>
    %add3A_190 = arith.constant 2048 : i32
    %add3A_191 = vector.broadcast %add3A_190 : i32 to vector<16xi32>
    %add3A_192 = arith.addi %add3A_191, %and3A_189 : vector<16xi32>
    %swap3A_193 = arith.constant 208 : index
    %swap3A_194 = tpu.vector_load %arg6[%swap3A_193] {strides = array<i32>} : memref<352xi32, #tpu.memory_space<vmem>>, vector<16xi32>,
    tpu.vector_store %arg6[%swap3A_193], %add3A_192 {strides = array<i32>} : memref<352xi32, #tpu.memory_space<vmem>>, vector<16xi32>,
    %mul3A_195 = arith.constant 352 : i32
    %mul3A_196 = arith.muli %arg1, %mul3A_195 : i32
    %add3A_197 = arith.constant 224 : i32
    %add3A_198 = arith.addi %mul3A_196, %add3A_197 : i32
    %add3A_199 = vector.broadcast %add3A_198 : i32 to vector<16xi32>
    %add3A_200 = arith.addi %add3A_199, %iota3A : vector<16xi32>
    %and3A_201 = arith.constant 255 : i32
    %and3A_202 = vector.broadcast %and3A_201 : i32 to vector<16xi32>
    %and3A_203 = arith.andi %add3A_200, %and3A_202 : vector<16xi32>
    %add3A_204 = arith.constant 2048 : i32
    %add3A_205 = vector.broadcast %add3A_204 : i32 to vector<16xi32>
    %add3A_206 = arith.addi %add3A_205, %and3A_203 : vector<16xi32>
    %swap3A_207 = arith.constant 224 : index
    %swap3A_208 = tpu.vector_load %arg6[%swap3A_207] {strides = array<i32>} : memref<352xi32, #tpu.memory_space<vmem>>, vector<16xi32>,
    tpu.vector_store %arg6[%swap3A_207], %add3A_206 {strides = array<i32>} : memref<352xi32, #tpu.memory_space<vmem>>, vector<16xi32>,
    %mul3A_209 = arith.constant 352 : i32
    %mul3A_210 = arith.muli %arg1, %mul3A_209 : i32
    %add3A_211 = arith.constant 240 : i32
    %add3A_212 = arith.addi %mul3A_210, %add3A_211 : i32
    %add3A_213 = vector.broadcast %add3A_212 : i32 to vector<16xi32>
    %add3A_214 = arith.addi %add3A_213, %iota3A : vector<16xi32>
    %and3A_215 = arith.constant 255 : i32
    %and3A_216 = vector.broadcast %and3A_215 : i32 to vector<16xi32>
    %and3A_217 = arith.andi %add3A_214, %and3A_216 : vector<16xi32>
    %add3A_218 = arith.constant 2048 : i32
    %add3A_219 = vector.broadcast %add3A_218 : i32 to vector<16xi32>
    %add3A_220 = arith.addi %add3A_219, %and3A_217 : vector<16xi32>
    %swap3A_221 = arith.constant 240 : index
    %swap3A_222 = tpu.vector_load %arg6[%swap3A_221] {strides = array<i32>} : memref<352xi32, #tpu.memory_space<vmem>>, vector<16xi32>,
    tpu.vector_store %arg6[%swap3A_221], %add3A_220 {strides = array<i32>} : memref<352xi32, #tpu.memory_space<vmem>>, vector<16xi32>,
    %mul3A_223 = arith.constant 352 : i32
    %mul3A_224 = arith.muli %arg1, %mul3A_223 : i32
    %add3A_225 = arith.constant 256 : i32
    %add3A_226 = arith.addi %mul3A_224, %add3A_225 : i32
    %add3A_227 = vector.broadcast %add3A_226 : i32 to vector<16xi32>
    %add3A_228 = arith.addi %add3A_227, %iota3A : vector<16xi32>
    %and3A_229 = arith.constant 255 : i32
    %and3A_230 = vector.broadcast %and3A_229 : i32 to vector<16xi32>
    %and3A_231 = arith.andi %add3A_228, %and3A_230 : vector<16xi32>
    %add3A_232 = arith.constant 2048 : i32
    %add3A_233 = vector.broadcast %add3A_232 : i32 to vector<16xi32>
    %add3A_234 = arith.addi %add3A_233, %and3A_231 : vector<16xi32>
    %swap3A_235 = arith.constant 256 : index
    %swap3A_236 = tpu.vector_load %arg6[%swap3A_235] {strides = array<i32>} : memref<352xi32, #tpu.memory_space<vmem>>, vector<16xi32>,
    tpu.vector_store %arg6[%swap3A_235], %add3A_234 {strides = array<i32>} : memref<352xi32, #tpu.memory_space<vmem>>, vector<16xi32>,
    %mul3A_237 = arith.constant 352 : i32
    %mul3A_238 = arith.muli %arg1, %mul3A_237 : i32
    %add3A_239 = arith.constant 272 : i32
    %add3A_240 = arith.addi %mul3A_238, %add3A_239 : i32
    %add3A_241 = vector.broadcast %add3A_240 : i32 to vector<16xi32>
    %add3A_242 = arith.addi %add3A_241, %iota3A : vector<16xi32>
    %and3A_243 = arith.constant 255 : i32
    %and3A_244 = vector.broadcast %and3A_243 : i32 to vector<16xi32>
    %and3A_245 = arith.andi %add3A_242, %and3A_244 : vector<16xi32>
    %add3A_246 = arith.constant 2048 : i32
    %add3A_247 = vector.broadcast %add3A_246 : i32 to vector<16xi32>
    %add3A_248 = arith.addi %add3A_247, %and3A_245 : vector<16xi32>
    %swap3A_249 = arith.constant 272 : index
    %swap3A_250 = tpu.vector_load %arg6[%swap3A_249] {strides = array<i32>} : memref<352xi32, #tpu.memory_space<vmem>>, vector<16xi32>,
    tpu.vector_store %arg6[%swap3A_249], %add3A_248 {strides = array<i32>} : memref<352xi32, #tpu.memory_space<vmem>>, vector<16xi32>,
    %mul3A_251 = arith.constant 352 : i32
    %mul3A_252 = arith.muli %arg1, %mul3A_251 : i32
    %add3A_253 = arith.constant 288 : i32
    %add3A_254 = arith.addi %mul3A_252, %add3A_253 : i32
    %add3A_255 = vector.broadcast %add3A_254 : i32 to vector<16xi32>
    %add3A_256 = arith.addi %add3A_255, %iota3A : vector<16xi32>
    %and3A_257 = arith.constant 255 : i32
    %and3A_258 = vector.broadcast %and3A_257 : i32 to vector<16xi32>
    %and3A_259 = arith.andi %add3A_256, %and3A_258 : vector<16xi32>
    %add3A_260 = arith.constant 2048 : i32
    %add3A_261 = vector.broadcast %add3A_260 : i32 to vector<16xi32>
    %add3A_262 = arith.addi %add3A_261, %and3A_259 : vector<16xi32>
    %swap3A_263 = arith.constant 288 : index
    %swap3A_264 = tpu.vector_load %arg6[%swap3A_263] {strides = array<i32>} : memref<352xi32, #tpu.memory_space<vmem>>, vector<16xi32>,
    tpu.vector_store %arg6[%swap3A_263], %add3A_262 {strides = array<i32>} : memref<352xi32, #tpu.memory_space<vmem>>, vector<16xi32>,
    %mul3A_265 = arith.constant 352 : i32
    %mul3A_266 = arith.muli %arg1, %mul3A_265 : i32
    %add3A_267 = arith.constant 304 : i32
    %add3A_268 = arith.addi %mul3A_266, %add3A_267 : i32
    %add3A_269 = vector.broadcast %add3A_268 : i32 to vector<16xi32>
    %add3A_270 = arith.addi %add3A_269, %iota3A : vector<16xi32>
    %and3A_271 = arith.constant 255 : i32
    %and3A_272 = vector.broadcast %and3A_271 : i32 to vector<16xi32>
    %and3A_273 = arith.andi %add3A_270, %and3A_272 : vector<16xi32>
    %add3A_274 = arith.constant 2048 : i32
    %add3A_275 = vector.broadcast %add3A_274 : i32 to vector<16xi32>
    %add3A_276 = arith.addi %add3A_275, %and3A_273 : vector<16xi32>
    %swap3A_277 = arith.constant 304 : index
    %swap3A_278 = tpu.vector_load %arg6[%swap3A_277] {strides = array<i32>} : memref<352xi32, #tpu.memory_space<vmem>>, vector<16xi32>,
    tpu.vector_store %arg6[%swap3A_277], %add3A_276 {strides = array<i32>} : memref<352xi32, #tpu.memory_space<vmem>>, vector<16xi32>,
    %mul3A_279 = arith.constant 352 : i32
    %mul3A_280 = arith.muli %arg1, %mul3A_279 : i32
    %add3A_281 = arith.constant 320 : i32
    %add3A_282 = arith.addi %mul3A_280, %add3A_281 : i32
    %add3A_283 = vector.broadcast %add3A_282 : i32 to vector<16xi32>
    %add3A_284 = arith.addi %add3A_283, %iota3A : vector<16xi32>
    %and3A_285 = arith.constant 255 : i32
    %and3A_286 = vector.broadcast %and3A_285 : i32 to vector<16xi32>
    %and3A_287 = arith.andi %add3A_284, %and3A_286 : vector<16xi32>
    %add3A_288 = arith.constant 2048 : i32
    %add3A_289 = vector.broadcast %add3A_288 : i32 to vector<16xi32>
    %add3A_290 = arith.addi %add3A_289, %and3A_287 : vector<16xi32>
    %swap3A_291 = arith.constant 320 : index
    %swap3A_292 = tpu.vector_load %arg6[%swap3A_291] {strides = array<i32>} : memref<352xi32, #tpu.memory_space<vmem>>, vector<16xi32>,
    tpu.vector_store %arg6[%swap3A_291], %add3A_290 {strides = array<i32>} : memref<352xi32, #tpu.memory_space<vmem>>, vector<16xi32>,
    %mul3A_293 = arith.constant 352 : i32
    %mul3A_294 = arith.muli %arg1, %mul3A_293 : i32
    %add3A_295 = arith.constant 336 : i32
    %add3A_296 = arith.addi %mul3A_294, %add3A_295 : i32
    %add3A_297 = vector.broadcast %add3A_296 : i32 to vector<16xi32>
    %add3A_298 = arith.addi %add3A_297, %iota3A : vector<16xi32>
    %and3A_299 = arith.constant 255 : i32
    %and3A_300 = vector.broadcast %and3A_299 : i32 to vector<16xi32>
    %and3A_301 = arith.andi %add3A_298, %and3A_300 : vector<16xi32>
    %add3A_302 = arith.constant 2048 : i32
    %add3A_303 = vector.broadcast %add3A_302 : i32 to vector<16xi32>
    %add3A_304 = arith.addi %add3A_303, %and3A_301 : vector<16xi32>
    %swap3A_305 = arith.constant 336 : index
    %swap3A_306 = tpu.vector_load %arg6[%swap3A_305] {strides = array<i32>} : memref<352xi32, #tpu.memory_space<vmem>>, vector<16xi32>,
    tpu.vector_store %arg6[%swap3A_305], %add3A_304 {strides = array<i32>} : memref<352xi32, #tpu.memory_space<vmem>>, vector<16xi32>,
    %mul3A_307 = arith.constant 352 : i32
    %mul3A_308 = arith.muli %arg1, %mul3A_307 : i32
    "tpu.region"() ({
      %run_scoped3A = tpu.sem_alloc : memref<!tpu.dma_semaphore, #tpu.memory_space<semaphore_mem>>
      %dma_start3A_559 = tpu.memref_slice %arg5[%mul3A_308] : memref<5632xi32, #tpu.memory_space<vmem_shared>> -> memref<352xi32, #tpu.memory_space<vmem_shared>>
      %dma_start3A_560 = tpu.memref_slice %arg5[%mul3A_308] : memref<5632xi32, #tpu.memory_space<vmem_shared>> -> memref<352xi32, #tpu.memory_space<vmem_shared>>
      tpu.enqueue_dma source(%arg6 : memref<352xi32, #tpu.memory_space<vmem>>) target(%dma_start3A_560 : memref<352xi32, #tpu.memory_space<vmem_shared>>) target_semaphore(%run_scoped3A : memref<!tpu.dma_semaphore, #tpu.memory_space<semaphore_mem>>)
      %dma_wait3A_561 = tpu.memref_slice %arg5[%mul3A_308] : memref<5632xi32, #tpu.memory_space<vmem_shared>> -> memref<352xi32, #tpu.memory_space<vmem_shared>>
      %dma_wait3A_562 = tpu.memref_slice %arg5[%mul3A_308] : memref<5632xi32, #tpu.memory_space<vmem_shared>> -> memref<352xi32, #tpu.memory_space<vmem_shared>>
      tpu.wait_dma2 semaphore(%run_scoped3A : memref<!tpu.dma_semaphore, #tpu.memory_space<semaphore_mem>>) src(%arg6 : memref<352xi32, #tpu.memory_space<vmem>>) dst(%dma_wait3A_562 : memref<352xi32, #tpu.memory_space<vmem_shared>>)
      tpu.yield
    }) : () -> ()
    %mul3A_309 = arith.constant 256 : i32
    %mul3A_310 = arith.muli %arg1, %mul3A_309 : i32
    %add3A_311 = arith.constant 0 : i32
    %add3A_312 = arith.addi %mul3A_310, %add3A_311 : i32
    %add3A_313 = arith.constant 0 : i32
    %add3A_314 = arith.addi %add3A_312, %add3A_313 : i32
    %add3A_315 = vector.broadcast %add3A_314 : i32 to vector<16xi32>
    %add3A_316 = arith.addi %add3A_315, %iota3A : vector<16xi32>
    %shift_right_logical3A = arith.constant 1 : i32
    %shift_right_logical3A_317 = vector.broadcast %shift_right_logical3A : i32 to vector<16xi32>
    %shift_right_logical3A_318 = arith.shrui %add3A_316, %shift_right_logical3A_317 : vector<16xi32>
    %swap3A_319 = arith.constant 0 : index
    %swap3A_320 = tpu.vector_load %arg7[%swap3A_319] {strides = array<i32>} : memref<128xi32, #tpu.memory_space<vmem>>, vector<16xi32>,
    tpu.vector_store %arg7[%swap3A_319], %shift_right_logical3A_318 {strides = array<i32>} : memref<128xi32, #tpu.memory_space<vmem>>, vector<16xi32>,
    %mul3A_321 = arith.constant 256 : i32
    %mul3A_322 = arith.muli %arg1, %mul3A_321 : i32
    %add3A_323 = arith.constant 0 : i32
    %add3A_324 = arith.addi %mul3A_322, %add3A_323 : i32
    %add3A_325 = arith.constant 16 : i32
    %add3A_326 = arith.addi %add3A_324, %add3A_325 : i32
    %add3A_327 = vector.broadcast %add3A_326 : i32 to vector<16xi32>
    %add3A_328 = arith.addi %add3A_327, %iota3A : vector<16xi32>
    %shift_right_logical3A_329 = arith.constant 1 : i32
    %shift_right_logical3A_330 = vector.broadcast %shift_right_logical3A_329 : i32 to vector<16xi32>
    %shift_right_logical3A_331 = arith.shrui %add3A_328, %shift_right_logical3A_330 : vector<16xi32>
    %swap3A_332 = arith.constant 16 : index
    %swap3A_333 = tpu.vector_load %arg7[%swap3A_332] {strides = array<i32>} : memref<128xi32, #tpu.memory_space<vmem>>, vector<16xi32>,
    tpu.vector_store %arg7[%swap3A_332], %shift_right_logical3A_331 {strides = array<i32>} : memref<128xi32, #tpu.memory_space<vmem>>, vector<16xi32>,
    %mul3A_334 = arith.constant 256 : i32
    %mul3A_335 = arith.muli %arg1, %mul3A_334 : i32
    %add3A_336 = arith.constant 0 : i32
    %add3A_337 = arith.addi %mul3A_335, %add3A_336 : i32
    %add3A_338 = arith.constant 32 : i32
    %add3A_339 = arith.addi %add3A_337, %add3A_338 : i32
    %add3A_340 = vector.broadcast %add3A_339 : i32 to vector<16xi32>
    %add3A_341 = arith.addi %add3A_340, %iota3A : vector<16xi32>
    %shift_right_logical3A_342 = arith.constant 1 : i32
    %shift_right_logical3A_343 = vector.broadcast %shift_right_logical3A_342 : i32 to vector<16xi32>
    %shift_right_logical3A_344 = arith.shrui %add3A_341, %shift_right_logical3A_343 : vector<16xi32>
    %swap3A_345 = arith.constant 32 : index
    %swap3A_346 = tpu.vector_load %arg7[%swap3A_345] {strides = array<i32>} : memref<128xi32, #tpu.memory_space<vmem>>, vector<16xi32>,
    tpu.vector_store %arg7[%swap3A_345], %shift_right_logical3A_344 {strides = array<i32>} : memref<128xi32, #tpu.memory_space<vmem>>, vector<16xi32>,
    %mul3A_347 = arith.constant 256 : i32
    %mul3A_348 = arith.muli %arg1, %mul3A_347 : i32
    %add3A_349 = arith.constant 0 : i32
    %add3A_350 = arith.addi %mul3A_348, %add3A_349 : i32
    %add3A_351 = arith.constant 48 : i32
    %add3A_352 = arith.addi %add3A_350, %add3A_351 : i32
    %add3A_353 = vector.broadcast %add3A_352 : i32 to vector<16xi32>
    %add3A_354 = arith.addi %add3A_353, %iota3A : vector<16xi32>
    %shift_right_logical3A_355 = arith.constant 1 : i32
    %shift_right_logical3A_356 = vector.broadcast %shift_right_logical3A_355 : i32 to vector<16xi32>
    %shift_right_logical3A_357 = arith.shrui %add3A_354, %shift_right_logical3A_356 : vector<16xi32>
    %swap3A_358 = arith.constant 48 : index
    %swap3A_359 = tpu.vector_load %arg7[%swap3A_358] {strides = array<i32>} : memref<128xi32, #tpu.memory_space<vmem>>, vector<16xi32>,
    tpu.vector_store %arg7[%swap3A_358], %shift_right_logical3A_357 {strides = array<i32>} : memref<128xi32, #tpu.memory_space<vmem>>, vector<16xi32>,
    %mul3A_360 = arith.constant 256 : i32
    %mul3A_361 = arith.muli %arg1, %mul3A_360 : i32
    %add3A_362 = arith.constant 0 : i32
    %add3A_363 = arith.addi %mul3A_361, %add3A_362 : i32
    %add3A_364 = arith.constant 64 : i32
    %add3A_365 = arith.addi %add3A_363, %add3A_364 : i32
    %add3A_366 = vector.broadcast %add3A_365 : i32 to vector<16xi32>
    %add3A_367 = arith.addi %add3A_366, %iota3A : vector<16xi32>
    %shift_right_logical3A_368 = arith.constant 1 : i32
    %shift_right_logical3A_369 = vector.broadcast %shift_right_logical3A_368 : i32 to vector<16xi32>
    %shift_right_logical3A_370 = arith.shrui %add3A_367, %shift_right_logical3A_369 : vector<16xi32>
    %swap3A_371 = arith.constant 64 : index
    %swap3A_372 = tpu.vector_load %arg7[%swap3A_371] {strides = array<i32>} : memref<128xi32, #tpu.memory_space<vmem>>, vector<16xi32>,
    tpu.vector_store %arg7[%swap3A_371], %shift_right_logical3A_370 {strides = array<i32>} : memref<128xi32, #tpu.memory_space<vmem>>, vector<16xi32>,
    %mul3A_373 = arith.constant 256 : i32
    %mul3A_374 = arith.muli %arg1, %mul3A_373 : i32
    %add3A_375 = arith.constant 0 : i32
    %add3A_376 = arith.addi %mul3A_374, %add3A_375 : i32
    %add3A_377 = arith.constant 80 : i32
    %add3A_378 = arith.addi %add3A_376, %add3A_377 : i32
    %add3A_379 = vector.broadcast %add3A_378 : i32 to vector<16xi32>
    %add3A_380 = arith.addi %add3A_379, %iota3A : vector<16xi32>
    %shift_right_logical3A_381 = arith.constant 1 : i32
    %shift_right_logical3A_382 = vector.broadcast %shift_right_logical3A_381 : i32 to vector<16xi32>
    %shift_right_logical3A_383 = arith.shrui %add3A_380, %shift_right_logical3A_382 : vector<16xi32>
    %swap3A_384 = arith.constant 80 : index
    %swap3A_385 = tpu.vector_load %arg7[%swap3A_384] {strides = array<i32>} : memref<128xi32, #tpu.memory_space<vmem>>, vector<16xi32>,
    tpu.vector_store %arg7[%swap3A_384], %shift_right_logical3A_383 {strides = array<i32>} : memref<128xi32, #tpu.memory_space<vmem>>, vector<16xi32>,
    %mul3A_386 = arith.constant 256 : i32
    %mul3A_387 = arith.muli %arg1, %mul3A_386 : i32
    %add3A_388 = arith.constant 0 : i32
    %add3A_389 = arith.addi %mul3A_387, %add3A_388 : i32
    %add3A_390 = arith.constant 96 : i32
    %add3A_391 = arith.addi %add3A_389, %add3A_390 : i32
    %add3A_392 = vector.broadcast %add3A_391 : i32 to vector<16xi32>
    %add3A_393 = arith.addi %add3A_392, %iota3A : vector<16xi32>
    %shift_right_logical3A_394 = arith.constant 1 : i32
    %shift_right_logical3A_395 = vector.broadcast %shift_right_logical3A_394 : i32 to vector<16xi32>
    %shift_right_logical3A_396 = arith.shrui %add3A_393, %shift_right_logical3A_395 : vector<16xi32>
    %swap3A_397 = arith.constant 96 : index
    %swap3A_398 = tpu.vector_load %arg7[%swap3A_397] {strides = array<i32>} : memref<128xi32, #tpu.memory_space<vmem>>, vector<16xi32>,
    tpu.vector_store %arg7[%swap3A_397], %shift_right_logical3A_396 {strides = array<i32>} : memref<128xi32, #tpu.memory_space<vmem>>, vector<16xi32>,
    %mul3A_399 = arith.constant 256 : i32
    %mul3A_400 = arith.muli %arg1, %mul3A_399 : i32
    %add3A_401 = arith.constant 0 : i32
    %add3A_402 = arith.addi %mul3A_400, %add3A_401 : i32
    %add3A_403 = arith.constant 112 : i32
    %add3A_404 = arith.addi %add3A_402, %add3A_403 : i32
    %add3A_405 = vector.broadcast %add3A_404 : i32 to vector<16xi32>
    %add3A_406 = arith.addi %add3A_405, %iota3A : vector<16xi32>
    %shift_right_logical3A_407 = arith.constant 1 : i32
    %shift_right_logical3A_408 = vector.broadcast %shift_right_logical3A_407 : i32 to vector<16xi32>
    %shift_right_logical3A_409 = arith.shrui %add3A_406, %shift_right_logical3A_408 : vector<16xi32>
    %swap3A_410 = arith.constant 112 : index
    %swap3A_411 = tpu.vector_load %arg7[%swap3A_410] {strides = array<i32>} : memref<128xi32, #tpu.memory_space<vmem>>, vector<16xi32>,
    tpu.vector_store %arg7[%swap3A_410], %shift_right_logical3A_409 {strides = array<i32>} : memref<128xi32, #tpu.memory_space<vmem>>, vector<16xi32>,
    %mul3A_412 = arith.constant 256 : i32
    %mul3A_413 = arith.muli %arg1, %mul3A_412 : i32
    %add3A_414 = arith.constant 0 : i32
    %add3A_415 = arith.addi %mul3A_413, %add3A_414 : i32
    "tpu.region"() ({
      %run_scoped3A = tpu.sem_alloc : memref<!tpu.dma_semaphore, #tpu.memory_space<semaphore_mem>>
      %dma_start3A_559 = tpu.memref_slice %arg3[%add3A_415] : memref<4096xi32, #tpu.memory_space<hbm>> -> memref<128xi32, #tpu.memory_space<hbm>>
      %dma_start3A_560 = tpu.memref_slice %arg3[%add3A_415] : memref<4096xi32, #tpu.memory_space<hbm>> -> memref<128xi32, #tpu.memory_space<hbm>>
      tpu.enqueue_dma source(%dma_start3A_560 : memref<128xi32, #tpu.memory_space<hbm>>) target(%arg9 : memref<128xi32, #tpu.memory_space<vmem>>) target_semaphore(%run_scoped3A : memref<!tpu.dma_semaphore, #tpu.memory_space<semaphore_mem>>)
      %dma_wait3A_561 = tpu.memref_slice %arg3[%add3A_415] : memref<4096xi32, #tpu.memory_space<hbm>> -> memref<128xi32, #tpu.memory_space<hbm>>
      %dma_wait3A_562 = tpu.memref_slice %arg3[%add3A_415] : memref<4096xi32, #tpu.memory_space<hbm>> -> memref<128xi32, #tpu.memory_space<hbm>>
      tpu.wait_dma2 semaphore(%run_scoped3A : memref<!tpu.dma_semaphore, #tpu.memory_space<semaphore_mem>>) src(%dma_wait3A_562 : memref<128xi32, #tpu.memory_space<hbm>>) dst(%arg9 : memref<128xi32, #tpu.memory_space<vmem>>)
      tpu.yield
    }) : () -> ()
    %mul3A_416 = arith.constant 256 : i32
    %mul3A_417 = arith.muli %arg1, %mul3A_416 : i32
    %add3A_418 = arith.constant 128 : i32
    %add3A_419 = arith.addi %mul3A_417, %add3A_418 : i32
    %add3A_420 = arith.constant 0 : i32
    %add3A_421 = arith.addi %add3A_419, %add3A_420 : i32
    %add3A_422 = vector.broadcast %add3A_421 : i32 to vector<16xi32>
    %add3A_423 = arith.addi %add3A_422, %iota3A : vector<16xi32>
    %shift_right_logical3A_424 = arith.constant 1 : i32
    %shift_right_logical3A_425 = vector.broadcast %shift_right_logical3A_424 : i32 to vector<16xi32>
    %shift_right_logical3A_426 = arith.shrui %add3A_423, %shift_right_logical3A_425 : vector<16xi32>
    %swap3A_427 = arith.constant 0 : index
    %swap3A_428 = tpu.vector_load %arg8[%swap3A_427] {strides = array<i32>} : memref<128xi32, #tpu.memory_space<vmem>>, vector<16xi32>,
    tpu.vector_store %arg8[%swap3A_427], %shift_right_logical3A_426 {strides = array<i32>} : memref<128xi32, #tpu.memory_space<vmem>>, vector<16xi32>,
    %mul3A_429 = arith.constant 256 : i32
    %mul3A_430 = arith.muli %arg1, %mul3A_429 : i32
    %add3A_431 = arith.constant 128 : i32
    %add3A_432 = arith.addi %mul3A_430, %add3A_431 : i32
    %add3A_433 = arith.constant 16 : i32
    %add3A_434 = arith.addi %add3A_432, %add3A_433 : i32
    %add3A_435 = vector.broadcast %add3A_434 : i32 to vector<16xi32>
    %add3A_436 = arith.addi %add3A_435, %iota3A : vector<16xi32>
    %shift_right_logical3A_437 = arith.constant 1 : i32
    %shift_right_logical3A_438 = vector.broadcast %shift_right_logical3A_437 : i32 to vector<16xi32>
    %shift_right_logical3A_439 = arith.shrui %add3A_436, %shift_right_logical3A_438 : vector<16xi32>
    %swap3A_440 = arith.constant 16 : index
    %swap3A_441 = tpu.vector_load %arg8[%swap3A_440] {strides = array<i32>} : memref<128xi32, #tpu.memory_space<vmem>>, vector<16xi32>,
    tpu.vector_store %arg8[%swap3A_440], %shift_right_logical3A_439 {strides = array<i32>} : memref<128xi32, #tpu.memory_space<vmem>>, vector<16xi32>,
    %mul3A_442 = arith.constant 256 : i32
    %mul3A_443 = arith.muli %arg1, %mul3A_442 : i32
    %add3A_444 = arith.constant 128 : i32
    %add3A_445 = arith.addi %mul3A_443, %add3A_444 : i32
    %add3A_446 = arith.constant 32 : i32
    %add3A_447 = arith.addi %add3A_445, %add3A_446 : i32
    %add3A_448 = vector.broadcast %add3A_447 : i32 to vector<16xi32>
    %add3A_449 = arith.addi %add3A_448, %iota3A : vector<16xi32>
    %shift_right_logical3A_450 = arith.constant 1 : i32
    %shift_right_logical3A_451 = vector.broadcast %shift_right_logical3A_450 : i32 to vector<16xi32>
    %shift_right_logical3A_452 = arith.shrui %add3A_449, %shift_right_logical3A_451 : vector<16xi32>
    %swap3A_453 = arith.constant 32 : index
    %swap3A_454 = tpu.vector_load %arg8[%swap3A_453] {strides = array<i32>} : memref<128xi32, #tpu.memory_space<vmem>>, vector<16xi32>,
    tpu.vector_store %arg8[%swap3A_453], %shift_right_logical3A_452 {strides = array<i32>} : memref<128xi32, #tpu.memory_space<vmem>>, vector<16xi32>,
    %mul3A_455 = arith.constant 256 : i32
    %mul3A_456 = arith.muli %arg1, %mul3A_455 : i32
    %add3A_457 = arith.constant 128 : i32
    %add3A_458 = arith.addi %mul3A_456, %add3A_457 : i32
    %add3A_459 = arith.constant 48 : i32
    %add3A_460 = arith.addi %add3A_458, %add3A_459 : i32
    %add3A_461 = vector.broadcast %add3A_460 : i32 to vector<16xi32>
    %add3A_462 = arith.addi %add3A_461, %iota3A : vector<16xi32>
    %shift_right_logical3A_463 = arith.constant 1 : i32
    %shift_right_logical3A_464 = vector.broadcast %shift_right_logical3A_463 : i32 to vector<16xi32>
    %shift_right_logical3A_465 = arith.shrui %add3A_462, %shift_right_logical3A_464 : vector<16xi32>
    %swap3A_466 = arith.constant 48 : index
    %swap3A_467 = tpu.vector_load %arg8[%swap3A_466] {strides = array<i32>} : memref<128xi32, #tpu.memory_space<vmem>>, vector<16xi32>,
    tpu.vector_store %arg8[%swap3A_466], %shift_right_logical3A_465 {strides = array<i32>} : memref<128xi32, #tpu.memory_space<vmem>>, vector<16xi32>,
    %mul3A_468 = arith.constant 256 : i32
    %mul3A_469 = arith.muli %arg1, %mul3A_468 : i32
    %add3A_470 = arith.constant 128 : i32
    %add3A_471 = arith.addi %mul3A_469, %add3A_470 : i32
    %add3A_472 = arith.constant 64 : i32
    %add3A_473 = arith.addi %add3A_471, %add3A_472 : i32
    %add3A_474 = vector.broadcast %add3A_473 : i32 to vector<16xi32>
    %add3A_475 = arith.addi %add3A_474, %iota3A : vector<16xi32>
    %shift_right_logical3A_476 = arith.constant 1 : i32
    %shift_right_logical3A_477 = vector.broadcast %shift_right_logical3A_476 : i32 to vector<16xi32>
    %shift_right_logical3A_478 = arith.shrui %add3A_475, %shift_right_logical3A_477 : vector<16xi32>
    %swap3A_479 = arith.constant 64 : index
    %swap3A_480 = tpu.vector_load %arg8[%swap3A_479] {strides = array<i32>} : memref<128xi32, #tpu.memory_space<vmem>>, vector<16xi32>,
    tpu.vector_store %arg8[%swap3A_479], %shift_right_logical3A_478 {strides = array<i32>} : memref<128xi32, #tpu.memory_space<vmem>>, vector<16xi32>,
    %mul3A_481 = arith.constant 256 : i32
    %mul3A_482 = arith.muli %arg1, %mul3A_481 : i32
    %add3A_483 = arith.constant 128 : i32
    %add3A_484 = arith.addi %mul3A_482, %add3A_483 : i32
    %add3A_485 = arith.constant 80 : i32
    %add3A_486 = arith.addi %add3A_484, %add3A_485 : i32
    %add3A_487 = vector.broadcast %add3A_486 : i32 to vector<16xi32>
    %add3A_488 = arith.addi %add3A_487, %iota3A : vector<16xi32>
    %shift_right_logical3A_489 = arith.constant 1 : i32
    %shift_right_logical3A_490 = vector.broadcast %shift_right_logical3A_489 : i32 to vector<16xi32>
    %shift_right_logical3A_491 = arith.shrui %add3A_488, %shift_right_logical3A_490 : vector<16xi32>
    %swap3A_492 = arith.constant 80 : index
    %swap3A_493 = tpu.vector_load %arg8[%swap3A_492] {strides = array<i32>} : memref<128xi32, #tpu.memory_space<vmem>>, vector<16xi32>,
    tpu.vector_store %arg8[%swap3A_492], %shift_right_logical3A_491 {strides = array<i32>} : memref<128xi32, #tpu.memory_space<vmem>>, vector<16xi32>,
    %mul3A_494 = arith.constant 256 : i32
    %mul3A_495 = arith.muli %arg1, %mul3A_494 : i32
    %add3A_496 = arith.constant 128 : i32
    %add3A_497 = arith.addi %mul3A_495, %add3A_496 : i32
    %add3A_498 = arith.constant 96 : i32
    %add3A_499 = arith.addi %add3A_497, %add3A_498 : i32
    %add3A_500 = vector.broadcast %add3A_499 : i32 to vector<16xi32>
    %add3A_501 = arith.addi %add3A_500, %iota3A : vector<16xi32>
    %shift_right_logical3A_502 = arith.constant 1 : i32
    %shift_right_logical3A_503 = vector.broadcast %shift_right_logical3A_502 : i32 to vector<16xi32>
    %shift_right_logical3A_504 = arith.shrui %add3A_501, %shift_right_logical3A_503 : vector<16xi32>
    %swap3A_505 = arith.constant 96 : index
    %swap3A_506 = tpu.vector_load %arg8[%swap3A_505] {strides = array<i32>} : memref<128xi32, #tpu.memory_space<vmem>>, vector<16xi32>,
    tpu.vector_store %arg8[%swap3A_505], %shift_right_logical3A_504 {strides = array<i32>} : memref<128xi32, #tpu.memory_space<vmem>>, vector<16xi32>,
    %mul3A_507 = arith.constant 256 : i32
    %mul3A_508 = arith.muli %arg1, %mul3A_507 : i32
    %add3A_509 = arith.constant 128 : i32
    %add3A_510 = arith.addi %mul3A_508, %add3A_509 : i32
    %add3A_511 = arith.constant 112 : i32
    %add3A_512 = arith.addi %add3A_510, %add3A_511 : i32
    %add3A_513 = vector.broadcast %add3A_512 : i32 to vector<16xi32>
    %add3A_514 = arith.addi %add3A_513, %iota3A : vector<16xi32>
    %shift_right_logical3A_515 = arith.constant 1 : i32
    %shift_right_logical3A_516 = vector.broadcast %shift_right_logical3A_515 : i32 to vector<16xi32>
    %shift_right_logical3A_517 = arith.shrui %add3A_514, %shift_right_logical3A_516 : vector<16xi32>
    %swap3A_518 = arith.constant 112 : index
    %swap3A_519 = tpu.vector_load %arg8[%swap3A_518] {strides = array<i32>} : memref<128xi32, #tpu.memory_space<vmem>>, vector<16xi32>,
    tpu.vector_store %arg8[%swap3A_518], %shift_right_logical3A_517 {strides = array<i32>} : memref<128xi32, #tpu.memory_space<vmem>>, vector<16xi32>,
    %mul3A_520 = arith.constant 256 : i32
    %mul3A_521 = arith.muli %arg1, %mul3A_520 : i32
    %add3A_522 = arith.constant 128 : i32
    %add3A_523 = arith.addi %mul3A_521, %add3A_522 : i32
    "tpu.region"() ({
      %run_scoped3A = tpu.sem_alloc : memref<!tpu.dma_semaphore, #tpu.memory_space<semaphore_mem>>
      %dma_start3A_559 = tpu.memref_slice %arg3[%add3A_523] : memref<4096xi32, #tpu.memory_space<hbm>> -> memref<128xi32, #tpu.memory_space<hbm>>
      %dma_start3A_560 = tpu.memref_slice %arg3[%add3A_523] : memref<4096xi32, #tpu.memory_space<hbm>> -> memref<128xi32, #tpu.memory_space<hbm>>
      tpu.enqueue_dma source(%dma_start3A_560 : memref<128xi32, #tpu.memory_space<hbm>>) target(%arg10 : memref<128xi32, #tpu.memory_space<vmem>>) target_semaphore(%run_scoped3A : memref<!tpu.dma_semaphore, #tpu.memory_space<semaphore_mem>>)
      %dma_wait3A_561 = tpu.memref_slice %arg3[%add3A_523] : memref<4096xi32, #tpu.memory_space<hbm>> -> memref<128xi32, #tpu.memory_space<hbm>>
      %dma_wait3A_562 = tpu.memref_slice %arg3[%add3A_523] : memref<4096xi32, #tpu.memory_space<hbm>> -> memref<128xi32, #tpu.memory_space<hbm>>
      tpu.wait_dma2 semaphore(%run_scoped3A : memref<!tpu.dma_semaphore, #tpu.memory_space<semaphore_mem>>) src(%dma_wait3A_562 : memref<128xi32, #tpu.memory_space<hbm>>) dst(%arg10 : memref<128xi32, #tpu.memory_space<vmem>>)
      tpu.yield
    }) : () -> ()
    %barrier3A = arith.constant 0 : index
    tpu.barrier barrier_id(%barrier3A)
    "tpu.region"() ({
      %run_scoped3A = tpu.sem_alloc : memref<!tpu.dma_semaphore, #tpu.memory_space<semaphore_mem>>
      %dma_start3A_559 = arith.constant 0 : i32
      %dma_start3A_560 = tpu.memref_slice %arg5[%dma_start3A_559] : memref<5632xi32, #tpu.memory_space<vmem_shared>> -> memref<5632xi32, #tpu.memory_space<vmem_shared>>
      tpu.enqueue_indirect_dma source(%arg7 : memref<128xi32, #tpu.memory_space<vmem>>) target(%dma_start3A_560 : memref<5632xi32, #tpu.memory_space<vmem_shared>>) offsets(%arg9 : memref<128xi32, #tpu.memory_space<vmem>>) semaphore(%run_scoped3A : memref<!tpu.dma_semaphore, #tpu.memory_space<semaphore_mem>>)
      %dma_wait3A_561 = arith.constant 0 : i32
      %dma_wait3A_562 = tpu.memref_slice %arg5[%dma_wait3A_561] : memref<5632xi32, #tpu.memory_space<vmem_shared>> -> memref<5632xi32, #tpu.memory_space<vmem_shared>>
      tpu.wait_indirect_dma semaphore(%run_scoped3A : memref<!tpu.dma_semaphore, #tpu.memory_space<semaphore_mem>>) src(%arg7 : memref<128xi32, #tpu.memory_space<vmem>>) dst(%dma_wait3A_562 : memref<5632xi32, #tpu.memory_space<vmem_shared>>)
      tpu.yield
    }) : () -> ()
    "tpu.region"() ({
      %run_scoped3A = tpu.sem_alloc : memref<!tpu.dma_semaphore, #tpu.memory_space<semaphore_mem>>
      %dma_start3A_559 = arith.constant 0 : i32
      %dma_start3A_560 = tpu.memref_slice %arg5[%dma_start3A_559] : memref<5632xi32, #tpu.memory_space<vmem_shared>> -> memref<5632xi32, #tpu.memory_space<vmem_shared>>
      tpu.enqueue_indirect_dma source(%arg8 : memref<128xi32, #tpu.memory_space<vmem>>) target(%dma_start3A_560 : memref<5632xi32, #tpu.memory_space<vmem_shared>>) offsets(%arg10 : memref<128xi32, #tpu.memory_space<vmem>>) semaphore(%run_scoped3A : memref<!tpu.dma_semaphore, #tpu.memory_space<semaphore_mem>>)
      %dma_wait3A_561 = arith.constant 0 : i32
      %dma_wait3A_562 = tpu.memref_slice %arg5[%dma_wait3A_561] : memref<5632xi32, #tpu.memory_space<vmem_shared>> -> memref<5632xi32, #tpu.memory_space<vmem_shared>>
      tpu.wait_indirect_dma semaphore(%run_scoped3A : memref<!tpu.dma_semaphore, #tpu.memory_space<semaphore_mem>>) src(%arg8 : memref<128xi32, #tpu.memory_space<vmem>>) dst(%dma_wait3A_562 : memref<5632xi32, #tpu.memory_space<vmem_shared>>)
      tpu.yield
    }) : () -> ()
    %barrier3A_524 = arith.constant 0 : index
    tpu.barrier barrier_id(%barrier3A_524)
    %mul3A_525 = arith.constant 160 : i32
    %mul3A_526 = arith.muli %add3A, %mul3A_525 : i32
    %add3A_527 = arith.constant 0 : i32
    %add3A_528 = arith.addi %mul3A_526, %add3A_527 : i32
    "tpu.region"() ({
      %run_scoped3A = tpu.sem_alloc : memref<!tpu.dma_semaphore, #tpu.memory_space<semaphore_mem>>
      %dma_start3A_559 = tpu.memref_slice %arg5[%add3A_528] : memref<5632xi32, #tpu.memory_space<vmem_shared>> -> memref<80xi32, #tpu.memory_space<vmem_shared>>
      %dma_start3A_560 = tpu.memref_slice %arg5[%add3A_528] : memref<5632xi32, #tpu.memory_space<vmem_shared>> -> memref<80xi32, #tpu.memory_space<vmem_shared>>
      tpu.enqueue_dma source(%dma_start3A_560 : memref<80xi32, #tpu.memory_space<vmem_shared>>) target(%arg11 : memref<80xi32, #tpu.memory_space<vmem>>) target_semaphore(%run_scoped3A : memref<!tpu.dma_semaphore, #tpu.memory_space<semaphore_mem>>)
      %dma_wait3A_561 = tpu.memref_slice %arg5[%add3A_528] : memref<5632xi32, #tpu.memory_space<vmem_shared>> -> memref<80xi32, #tpu.memory_space<vmem_shared>>
      %dma_wait3A_562 = tpu.memref_slice %arg5[%add3A_528] : memref<5632xi32, #tpu.memory_space<vmem_shared>> -> memref<80xi32, #tpu.memory_space<vmem_shared>>
      tpu.wait_dma2 semaphore(%run_scoped3A : memref<!tpu.dma_semaphore, #tpu.memory_space<semaphore_mem>>) src(%dma_wait3A_562 : memref<80xi32, #tpu.memory_space<vmem_shared>>) dst(%arg11 : memref<80xi32, #tpu.memory_space<vmem>>)
      tpu.yield
    }) : () -> ()
    %add3A_529 = arith.constant 80 : i32
    %add3A_530 = arith.addi %mul3A_526, %add3A_529 : i32
    "tpu.region"() ({
      %run_scoped3A = tpu.sem_alloc : memref<!tpu.dma_semaphore, #tpu.memory_space<semaphore_mem>>
      %dma_start3A_559 = tpu.memref_slice %arg5[%add3A_530] : memref<5632xi32, #tpu.memory_space<vmem_shared>> -> memref<80xi32, #tpu.memory_space<vmem_shared>>
      %dma_start3A_560 = tpu.memref_slice %arg5[%add3A_530] : memref<5632xi32, #tpu.memory_space<vmem_shared>> -> memref<80xi32, #tpu.memory_space<vmem_shared>>
      tpu.enqueue_dma source(%dma_start3A_560 : memref<80xi32, #tpu.memory_space<vmem_shared>>) target(%arg12 : memref<80xi32, #tpu.memory_space<vmem>>) target_semaphore(%run_scoped3A : memref<!tpu.dma_semaphore, #tpu.memory_space<semaphore_mem>>)
      %dma_wait3A_561 = tpu.memref_slice %arg5[%add3A_530] : memref<5632xi32, #tpu.memory_space<vmem_shared>> -> memref<80xi32, #tpu.memory_space<vmem_shared>>
      %dma_wait3A_562 = tpu.memref_slice %arg5[%add3A_530] : memref<5632xi32, #tpu.memory_space<vmem_shared>> -> memref<80xi32, #tpu.memory_space<vmem_shared>>
      tpu.wait_dma2 semaphore(%run_scoped3A : memref<!tpu.dma_semaphore, #tpu.memory_space<semaphore_mem>>) src(%dma_wait3A_562 : memref<80xi32, #tpu.memory_space<vmem_shared>>) dst(%arg12 : memref<80xi32, #tpu.memory_space<vmem>>)
      tpu.yield
    }) : () -> ()
    %dma_start3A = arith.constant 0 : i32
    %dma_start3A_531 = arith.constant 0 : i32
    %dma_start3A_532 = tpu.memref_slice %arg2[%dma_start3A, %dma_start3A_531] : memref<2304x768xf32, #tpu.memory_space<hbm>> -> memref<2304x768xf32, #tpu.memory_space<hbm>>
    tpu.enqueue_indirect_dma source(%dma_start3A_532 : memref<2304x768xf32, #tpu.memory_space<hbm>>) target(%arg13 : memref<80x768xf32, #tpu.memory_space<vmem>>) offsets(%arg11 : memref<80xi32, #tpu.memory_space<vmem>>) semaphore(%arg15 : memref<!tpu.dma_semaphore, #tpu.memory_space<semaphore_mem>>)
    %dma_start3A_533 = arith.constant 0 : i32
    %dma_start3A_534 = arith.constant 0 : i32
    %dma_start3A_535 = tpu.memref_slice %arg2[%dma_start3A_533, %dma_start3A_534] : memref<2304x768xf32, #tpu.memory_space<hbm>> -> memref<2304x768xf32, #tpu.memory_space<hbm>>
    tpu.enqueue_indirect_dma source(%dma_start3A_535 : memref<2304x768xf32, #tpu.memory_space<hbm>>) target(%arg14 : memref<80x768xf32, #tpu.memory_space<vmem>>) offsets(%arg12 : memref<80xi32, #tpu.memory_space<vmem>>) semaphore(%arg16 : memref<!tpu.dma_semaphore, #tpu.memory_space<semaphore_mem>>)
    %dma_wait3A = arith.constant 0 : i32
    %dma_wait3A_536 = arith.constant 0 : i32
    %dma_wait3A_537 = tpu.memref_slice %arg2[%dma_wait3A, %dma_wait3A_536] : memref<2304x768xf32, #tpu.memory_space<hbm>> -> memref<2304x768xf32, #tpu.memory_space<hbm>>
    tpu.wait_indirect_dma semaphore(%arg15 : memref<!tpu.dma_semaphore, #tpu.memory_space<semaphore_mem>>) src(%dma_wait3A_537 : memref<2304x768xf32, #tpu.memory_space<hbm>>) dst(%arg13 : memref<80x768xf32, #tpu.memory_space<vmem>>)
    %dma_start3A_538 = arith.constant 0 : i32
    %dma_start3A_539 = tpu.memref_slice %arg4[%mul3A_526, %dma_start3A_538] : memref<5120x768xf32, #tpu.memory_space<hbm>> -> memref<80x768xf32, #tpu.memory_space<hbm>>
    %dma_start3A_540 = arith.constant 0 : i32
    %dma_start3A_541 = tpu.memref_slice %arg4[%mul3A_526, %dma_start3A_540] : memref<5120x768xf32, #tpu.memory_space<hbm>> -> memref<80x768xf32, #tpu.memory_space<hbm>>
    tpu.enqueue_dma source(%arg13 : memref<80x768xf32, #tpu.memory_space<vmem>>) target(%dma_start3A_541 : memref<80x768xf32, #tpu.memory_space<hbm>>) target_semaphore(%arg17 : memref<!tpu.dma_semaphore, #tpu.memory_space<semaphore_mem>>)
    %dma_wait3A_542 = arith.constant 0 : i32
    %dma_wait3A_543 = arith.constant 0 : i32
    %dma_wait3A_544 = tpu.memref_slice %arg2[%dma_wait3A_542, %dma_wait3A_543] : memref<2304x768xf32, #tpu.memory_space<hbm>> -> memref<2304x768xf32, #tpu.memory_space<hbm>>
    tpu.wait_indirect_dma semaphore(%arg16 : memref<!tpu.dma_semaphore, #tpu.memory_space<semaphore_mem>>) src(%dma_wait3A_544 : memref<2304x768xf32, #tpu.memory_space<hbm>>) dst(%arg14 : memref<80x768xf32, #tpu.memory_space<vmem>>)
    %add3A_545 = arith.constant 80 : i32
    %add3A_546 = arith.addi %mul3A_526, %add3A_545 : i32
    %dma_start3A_547 = arith.constant 0 : i32
    %dma_start3A_548 = tpu.memref_slice %arg4[%add3A_546, %dma_start3A_547] : memref<5120x768xf32, #tpu.memory_space<hbm>> -> memref<80x768xf32, #tpu.memory_space<hbm>>
    %dma_start3A_549 = arith.constant 0 : i32
    %dma_start3A_550 = tpu.memref_slice %arg4[%add3A_546, %dma_start3A_549] : memref<5120x768xf32, #tpu.memory_space<hbm>> -> memref<80x768xf32, #tpu.memory_space<hbm>>
    tpu.enqueue_dma source(%arg14 : memref<80x768xf32, #tpu.memory_space<vmem>>) target(%dma_start3A_550 : memref<80x768xf32, #tpu.memory_space<hbm>>) target_semaphore(%arg18 : memref<!tpu.dma_semaphore, #tpu.memory_space<semaphore_mem>>)
    %dma_wait3A_551 = arith.constant 0 : i32
    %dma_wait3A_552 = tpu.memref_slice %arg4[%mul3A_526, %dma_wait3A_551] : memref<5120x768xf32, #tpu.memory_space<hbm>> -> memref<80x768xf32, #tpu.memory_space<hbm>>
    %dma_wait3A_553 = arith.constant 0 : i32
    %dma_wait3A_554 = tpu.memref_slice %arg4[%mul3A_526, %dma_wait3A_553] : memref<5120x768xf32, #tpu.memory_space<hbm>> -> memref<80x768xf32, #tpu.memory_space<hbm>>
    tpu.wait_dma2 semaphore(%arg17 : memref<!tpu.dma_semaphore, #tpu.memory_space<semaphore_mem>>) src(%arg13 : memref<80x768xf32, #tpu.memory_space<vmem>>) dst(%dma_wait3A_554 : memref<80x768xf32, #tpu.memory_space<hbm>>)
    %dma_wait3A_555 = arith.constant 0 : i32
    %dma_wait3A_556 = tpu.memref_slice %arg4[%add3A_546, %dma_wait3A_555] : memref<5120x768xf32, #tpu.memory_space<hbm>> -> memref<80x768xf32, #tpu.memory_space<hbm>>
    %dma_wait3A_557 = arith.constant 0 : i32
    %dma_wait3A_558 = tpu.memref_slice %arg4[%add3A_546, %dma_wait3A_557] : memref<5120x768xf32, #tpu.memory_space<hbm>> -> memref<80x768xf32, #tpu.memory_space<hbm>>
    tpu.wait_dma2 semaphore(%arg18 : memref<!tpu.dma_semaphore, #tpu.memory_space<semaphore_mem>>) src(%arg14 : memref<80x768xf32, #tpu.memory_space<vmem>>) dst(%dma_wait3A_558 : memref<80x768xf32, #tpu.memory_space<hbm>>)
    return
  }
}

module attributes {stable_mosaic.version = 14 : i64} {
  func.func @_tc_body(%arg0: i32, %arg1: memref<256x768xf32, #tpu.memory_space<vmem>>, %arg2: memref<8x768xf32, #tpu.memory_space<vmem>>, %arg3: memref<256x2xf32, #tpu.memory_space<vmem>>, %arg4: memref<256x2xi32, #tpu.memory_space<vmem>>, %arg5: memref<256x8x640xf32, #tpu.memory_space<vmem>>, %arg6: memref<256x768xf32, #tpu.memory_space<vmem>>, %arg7: memref<1x8xi32, #tpu.memory_space<vmem>>) attributes {dimension_semantics = [#tpu.dimension_semantics<arbitrary>], iteration_bounds = array<i64: 9>, scalar_prefetch = 0 : i64, scratch_operands = 1 : i64, tpu.core_type = #tpu.core_type<tc>, window_params = [{transform_indices = @transform_0, window_bounds = array<i64: 256, 768>}, {pipeline_mode = #tpu.pipeline_mode<synchronous>, transform_indices = @transform_1, window_bounds = array<i64: 8, 768>}, {transform_indices = @transform_2, window_bounds = array<i64: 256, 2>}, {transform_indices = @transform_3, window_bounds = array<i64: 256, 2>}, {transform_indices = @transform_4, window_bounds = array<i64: 256, 8, 640>}, {transform_indices = @transform_5, window_bounds = array<i64: 256, 768>}]} {
    %eq3A = arith.constant 0 : i32
    %eq3A_0 = arith.cmpi eq, %arg0, %eq3A : i32
    %convert_element_type3A = arith.extui %eq3A_0 : i1 to i32
    %cond3A = arith.constant 0 : i32
    %cond3A_1 = arith.cmpi ne, %convert_element_type3A, %cond3A : i32
    scf.if %cond3A_1 {
      %broadcast_in_dim3A_15 = arith.constant 0 : i32
      %broadcast_in_dim3A_16 = vector.broadcast %broadcast_in_dim3A_15 : i32 to vector<1x8xi32>
      %swap3A_17 = arith.constant 0 : index
      %swap3A_18 = arith.constant 0 : index
      %swap3A_19 = vector.load %arg7[%swap3A_17, %swap3A_18] : memref<1x8xi32, #tpu.memory_space<vmem>>, vector<1x8xi32>
      tpu.vector_store %arg7[%swap3A_17, %swap3A_18], %broadcast_in_dim3A_16 {strides = array<i32>} : memref<1x8xi32, #tpu.memory_space<vmem>>, vector<1x8xi32>,
    } else {
    }
    %get3A = arith.constant 0 : index
    %get3A_2 = arith.constant 0 : index
    %get3A_3 = vector.load %arg1[%get3A, %get3A_2] : memref<256x768xf32, #tpu.memory_space<vmem>>, vector<256x768xf32>
    %get3A_4 = arith.constant 0 : index
    %get3A_5 = arith.constant 0 : index
    %get3A_6 = vector.load %arg2[%get3A_4, %get3A_5] : memref<8x768xf32, #tpu.memory_space<vmem>>, vector<8x768xf32>
    %lt3A = arith.constant 8 : i32
    %lt3A_7 = arith.cmpi slt, %arg0, %lt3A : i32
    %jit3A = arith.constant 0.000000e+00 : f32
    %broadcast_in_dim3A = vector.broadcast %jit3A : f32 to vector<256x768xf32>
    %select_n3A = arith.select %lt3A_7, %get3A_3, %broadcast_in_dim3A : vector<256x768xf32>
    %swap3A = arith.constant 0 : index
    %swap3A_8 = arith.constant 0 : index
    %swap3A_9 = vector.load %arg6[%swap3A, %swap3A_8] : memref<256x768xf32, #tpu.memory_space<vmem>>, vector<256x768xf32>
    tpu.vector_store %arg6[%swap3A, %swap3A_8], %select_n3A {strides = array<i32>} : memref<256x768xf32, #tpu.memory_space<vmem>>, vector<256x768xf32>,
    %lt3A_10 = arith.constant 8 : i32
    %lt3A_11 = arith.cmpi slt, %arg0, %lt3A_10 : i32
    %convert_element_type3A_12 = arith.extui %lt3A_11 : i1 to i32
    %cond3A_13 = arith.constant 0 : i32
    %cond3A_14 = arith.cmpi ne, %convert_element_type3A_12, %cond3A_13 : i32
    scf.if %cond3A_14 {
      %convert_element_type3A_15 = arith.truncf %get3A_3 : vector<256x768xf32> to vector<256x768xbf16>
      %convert_element_type3A_16 = arith.truncf %get3A_6 : vector<8x768xf32> to vector<8x768xbf16>
      %dot_general3A = arith.constant dense<0.000000e+00> : vector<256x8xf32>
      %dot_general3A_17 = tpu.matmul %convert_element_type3A_15, %convert_element_type3A_16, %dot_general3A {dimension_numbers = #tpu.dot_dimension_numbers<[1], [1], [0], [0], [0, 0, 1, 0], [], []>, transpose_lhs_hint = false} : vector<256x768xbf16>, vector<8x768xbf16>, vector<256x8xf32> -> vector<256x8xf32>
      %iota3A = tpu.iota {dimensions = array<i32: 1>} : vector<256x8xi32>
      %reduce_max3A = arith.constant dense<0xFF800000> : vector<256xf32>
      %reduce_max3A_18 = vector.multi_reduction <maximumf>, %dot_general3A_17, %reduce_max3A [1] : vector<256x8xf32> to vector<256xf32>
      %broadcast_in_dim3A_19 = vector.shape_cast %reduce_max3A_18 : vector<256xf32> to vector<256x1xf32>
      %eq3A_20 = vector.broadcast %broadcast_in_dim3A_19 : vector<256x1xf32> to vector<256x8xf32>
      %eq3A_21 = arith.cmpf oeq, %dot_general3A_17, %eq3A_20 : vector<256x8xf32>
      %jit3A_22 = arith.constant 8 : i32
      %broadcast_in_dim3A_23 = vector.broadcast %jit3A_22 : i32 to vector<256x8xi32>
      %select_n3A_24 = arith.select %eq3A_21, %iota3A, %broadcast_in_dim3A_23 : vector<256x8xi1>, vector<256x8xi32>
      %reduce_min3A = arith.constant dense<2147483647> : vector<256xi32>
      %reduce_min3A_25 = vector.multi_reduction <minsi>, %select_n3A_24, %reduce_min3A [1] : vector<256x8xi32> to vector<256xi32>
      %broadcast_in_dim3A_26 = vector.shape_cast %reduce_min3A_25 : vector<256xi32> to vector<256x1xi32>
      %eq3A_27 = vector.broadcast %broadcast_in_dim3A_26 : vector<256x1xi32> to vector<256x8xi32>
      %eq3A_28 = arith.cmpi eq, %iota3A, %eq3A_27 : vector<256x8xi32>
      %jit3A_29 = arith.constant 0xFF800000 : f32
      %broadcast_in_dim3A_30 = vector.broadcast %jit3A_29 : f32 to vector<256x8xf32>
      %select_n3A_31 = arith.select %eq3A_28, %broadcast_in_dim3A_30, %dot_general3A_17 : vector<256x8xi1>, vector<256x8xf32>
      %reduce_max3A_32 = arith.constant dense<0xFF800000> : vector<256xf32>
      %reduce_max3A_33 = vector.multi_reduction <maximumf>, %select_n3A_31, %reduce_max3A_32 [1] : vector<256x8xf32> to vector<256xf32>
      %broadcast_in_dim3A_34 = vector.shape_cast %reduce_max3A_33 : vector<256xf32> to vector<256x1xf32>
      %eq3A_35 = vector.broadcast %broadcast_in_dim3A_34 : vector<256x1xf32> to vector<256x8xf32>
      %eq3A_36 = arith.cmpf oeq, %select_n3A_31, %eq3A_35 : vector<256x8xf32>
      %jit3A_37 = arith.constant 8 : i32
      %broadcast_in_dim3A_38 = vector.broadcast %jit3A_37 : i32 to vector<256x8xi32>
      %select_n3A_39 = arith.select %eq3A_36, %iota3A, %broadcast_in_dim3A_38 : vector<256x8xi1>, vector<256x8xi32>
      %reduce_min3A_40 = arith.constant dense<2147483647> : vector<256xi32>
      %reduce_min3A_41 = vector.multi_reduction <minsi>, %select_n3A_39, %reduce_min3A_40 [1] : vector<256x8xi32> to vector<256xi32>
      %broadcast_in_dim3A_42 = vector.shape_cast %reduce_min3A_41 : vector<256xi32> to vector<256x1xi32>
      %sub3A = arith.subf %broadcast_in_dim3A_34, %broadcast_in_dim3A_19 : vector<256x1xf32>
      %exp3A = math.exp %sub3A : vector<256x1xf32>
      %add3A = arith.constant 1.000000e+00 : f32
      %add3A_43 = vector.broadcast %add3A : f32 to vector<256x1xf32>
      %add3A_44 = arith.addf %add3A_43, %exp3A : vector<256x1xf32>
      %div3A = arith.constant 1.000000e+00 : f32
      %div3A_45 = vector.broadcast %div3A : f32 to vector<256x1xf32>
      %div3A_46 = arith.divf %div3A_45, %add3A_44 : vector<256x1xf32>
      %div3A_47 = arith.divf %exp3A, %add3A_44 : vector<256x1xf32>
      %eq3A_48 = vector.broadcast %broadcast_in_dim3A_26 : vector<256x1xi32> to vector<256x8xi32>
      %eq3A_49 = arith.cmpi eq, %iota3A, %eq3A_48 : vector<256x8xi32>
      %eq3A_50 = vector.broadcast %broadcast_in_dim3A_42 : vector<256x1xi32> to vector<256x8xi32>
      %eq3A_51 = arith.cmpi eq, %iota3A, %eq3A_50 : vector<256x8xi32>
      %convert_element_type3A_52 = arith.extui %eq3A_49 : vector<256x8xi1> to vector<256x8xi32>
      %convert_element_type3A_53 = arith.extui %eq3A_51 : vector<256x8xi1> to vector<256x8xi32>
      %add3A_54 = arith.addi %convert_element_type3A_52, %convert_element_type3A_53 : vector<256x8xi32>
      %broadcast_in_dim3A_55 = arith.constant 0 : i32
      %broadcast_in_dim3A_56 = vector.broadcast %broadcast_in_dim3A_55 : i32 to vector<1x8xi32>
      %slice3A = vector.extract_strided_slice %add3A_54 {offsets = [0, 0], sizes = [255, 8], strides = [1, 1]} : vector<256x8xi32> to vector<255x8xi32>
      %concatenate3A = tpu.concatenate %broadcast_in_dim3A_56, %slice3A in 0 : vector<1x8xi32>, vector<255x8xi32> -> vector<256x8xi32>
      %add3A_57 = arith.addi %add3A_54, %concatenate3A : vector<256x8xi32>
      %broadcast_in_dim3A_58 = arith.constant 0 : i32
      %broadcast_in_dim3A_59 = vector.broadcast %broadcast_in_dim3A_58 : i32 to vector<2x8xi32>
      %slice3A_60 = vector.extract_strided_slice %add3A_57 {offsets = [0, 0], sizes = [254, 8], strides = [1, 1]} : vector<256x8xi32> to vector<254x8xi32>
      %concatenate3A_61 = tpu.concatenate %broadcast_in_dim3A_59, %slice3A_60 in 0 : vector<2x8xi32>, vector<254x8xi32> -> vector<256x8xi32>
      %add3A_62 = arith.addi %add3A_57, %concatenate3A_61 : vector<256x8xi32>
      %broadcast_in_dim3A_63 = arith.constant 0 : i32
      %broadcast_in_dim3A_64 = vector.broadcast %broadcast_in_dim3A_63 : i32 to vector<4x8xi32>
      %slice3A_65 = vector.extract_strided_slice %add3A_62 {offsets = [0, 0], sizes = [252, 8], strides = [1, 1]} : vector<256x8xi32> to vector<252x8xi32>
      %concatenate3A_66 = tpu.concatenate %broadcast_in_dim3A_64, %slice3A_65 in 0 : vector<4x8xi32>, vector<252x8xi32> -> vector<256x8xi32>
      %add3A_67 = arith.addi %add3A_62, %concatenate3A_66 : vector<256x8xi32>
      %broadcast_in_dim3A_68 = arith.constant 0 : i32
      %broadcast_in_dim3A_69 = vector.broadcast %broadcast_in_dim3A_68 : i32 to vector<8x8xi32>
      %slice3A_70 = vector.extract_strided_slice %add3A_67 {offsets = [0, 0], sizes = [248, 8], strides = [1, 1]} : vector<256x8xi32> to vector<248x8xi32>
      %concatenate3A_71 = tpu.concatenate %broadcast_in_dim3A_69, %slice3A_70 in 0 : vector<8x8xi32>, vector<248x8xi32> -> vector<256x8xi32>
      %add3A_72 = arith.addi %add3A_67, %concatenate3A_71 : vector<256x8xi32>
      %broadcast_in_dim3A_73 = arith.constant 0 : i32
      %broadcast_in_dim3A_74 = vector.broadcast %broadcast_in_dim3A_73 : i32 to vector<16x8xi32>
      %slice3A_75 = vector.extract_strided_slice %add3A_72 {offsets = [0, 0], sizes = [240, 8], strides = [1, 1]} : vector<256x8xi32> to vector<240x8xi32>
      %concatenate3A_76 = tpu.concatenate %broadcast_in_dim3A_74, %slice3A_75 in 0 : vector<16x8xi32>, vector<240x8xi32> -> vector<256x8xi32>
      %add3A_77 = arith.addi %add3A_72, %concatenate3A_76 : vector<256x8xi32>
      %broadcast_in_dim3A_78 = arith.constant 0 : i32
      %broadcast_in_dim3A_79 = vector.broadcast %broadcast_in_dim3A_78 : i32 to vector<32x8xi32>
      %slice3A_80 = vector.extract_strided_slice %add3A_77 {offsets = [0, 0], sizes = [224, 8], strides = [1, 1]} : vector<256x8xi32> to vector<224x8xi32>
      %concatenate3A_81 = tpu.concatenate %broadcast_in_dim3A_79, %slice3A_80 in 0 : vector<32x8xi32>, vector<224x8xi32> -> vector<256x8xi32>
      %add3A_82 = arith.addi %add3A_77, %concatenate3A_81 : vector<256x8xi32>
      %broadcast_in_dim3A_83 = arith.constant 0 : i32
      %broadcast_in_dim3A_84 = vector.broadcast %broadcast_in_dim3A_83 : i32 to vector<64x8xi32>
      %slice3A_85 = vector.extract_strided_slice %add3A_82 {offsets = [0, 0], sizes = [192, 8], strides = [1, 1]} : vector<256x8xi32> to vector<192x8xi32>
      %concatenate3A_86 = tpu.concatenate %broadcast_in_dim3A_84, %slice3A_85 in 0 : vector<64x8xi32>, vector<192x8xi32> -> vector<256x8xi32>
      %add3A_87 = arith.addi %add3A_82, %concatenate3A_86 : vector<256x8xi32>
      %broadcast_in_dim3A_88 = arith.constant 0 : i32
      %broadcast_in_dim3A_89 = vector.broadcast %broadcast_in_dim3A_88 : i32 to vector<128x8xi32>
      %slice3A_90 = vector.extract_strided_slice %add3A_87 {offsets = [0, 0], sizes = [128, 8], strides = [1, 1]} : vector<256x8xi32> to vector<128x8xi32>
      %concatenate3A_91 = tpu.concatenate %broadcast_in_dim3A_89, %slice3A_90 in 0 : vector<128x8xi32>, vector<128x8xi32> -> vector<256x8xi32>
      %add3A_92 = arith.addi %add3A_87, %concatenate3A_91 : vector<256x8xi32>
      %get3A_93 = arith.constant 0 : index
      %get3A_94 = arith.constant 0 : index
      %get3A_95 = vector.load %arg7[%get3A_93, %get3A_94] : memref<1x8xi32, #tpu.memory_space<vmem>>, vector<1x8xi32>
      %sub3A_96 = arith.subi %add3A_92, %add3A_54 : vector<256x8xi32>
      %add3A_97 = vector.broadcast %get3A_95 : vector<1x8xi32> to vector<256x8xi32>
      %add3A_98 = arith.addi %sub3A_96, %add3A_97 : vector<256x8xi32>
      %jit3A_99 = arith.constant 0 : i32
      %broadcast_in_dim3A_100 = vector.broadcast %jit3A_99 : i32 to vector<256x8xi32>
      %select_n3A_101 = arith.select %eq3A_49, %add3A_98, %broadcast_in_dim3A_100 : vector<256x8xi1>, vector<256x8xi32>
      %reduce_sum3A = arith.constant dense<0> : vector<256xi32>
      %reduce_sum3A_102 = vector.multi_reduction <add>, %select_n3A_101, %reduce_sum3A [1] : vector<256x8xi32> to vector<256xi32>
      %broadcast_in_dim3A_103 = vector.shape_cast %reduce_sum3A_102 : vector<256xi32> to vector<256x1xi32>
      %jit3A_104 = arith.constant 0 : i32
      %broadcast_in_dim3A_105 = vector.broadcast %jit3A_104 : i32 to vector<256x8xi32>
      %select_n3A_106 = arith.select %eq3A_51, %add3A_98, %broadcast_in_dim3A_105 : vector<256x8xi1>, vector<256x8xi32>
      %reduce_sum3A_107 = arith.constant dense<0> : vector<256xi32>
      %reduce_sum3A_108 = vector.multi_reduction <add>, %select_n3A_106, %reduce_sum3A_107 [1] : vector<256x8xi32> to vector<256xi32>
      %broadcast_in_dim3A_109 = vector.shape_cast %reduce_sum3A_108 : vector<256xi32> to vector<256x1xi32>
      %lt3A_110 = arith.constant 640 : i32
      %lt3A_111 = vector.broadcast %lt3A_110 : i32 to vector<256x1xi32>
      %lt3A_112 = arith.cmpi slt, %broadcast_in_dim3A_103, %lt3A_111 : vector<256x1xi32>
      %mul3A = arith.constant 640 : i32
      %mul3A_113 = vector.broadcast %mul3A : i32 to vector<256x1xi32>
      %mul3A_114 = arith.muli %broadcast_in_dim3A_26, %mul3A_113 : vector<256x1xi32>
      %add3A_115 = arith.addi %mul3A_114, %broadcast_in_dim3A_103 : vector<256x1xi32>
      %jit3A_116 = arith.constant 5120 : i32
      %broadcast_in_dim3A_117 = vector.broadcast %jit3A_116 : i32 to vector<256x1xi32>
      %select_n3A_118 = arith.select %lt3A_112, %add3A_115, %broadcast_in_dim3A_117 : vector<256x1xi1>, vector<256x1xi32>
      %lt3A_119 = arith.constant 640 : i32
      %lt3A_120 = vector.broadcast %lt3A_119 : i32 to vector<256x1xi32>
      %lt3A_121 = arith.cmpi slt, %broadcast_in_dim3A_109, %lt3A_120 : vector<256x1xi32>
      %mul3A_122 = arith.constant 640 : i32
      %mul3A_123 = vector.broadcast %mul3A_122 : i32 to vector<256x1xi32>
      %mul3A_124 = arith.muli %broadcast_in_dim3A_42, %mul3A_123 : vector<256x1xi32>
      %add3A_125 = arith.addi %mul3A_124, %broadcast_in_dim3A_109 : vector<256x1xi32>
      %jit3A_126 = arith.constant 5120 : i32
      %broadcast_in_dim3A_127 = vector.broadcast %jit3A_126 : i32 to vector<256x1xi32>
      %select_n3A_128 = arith.select %lt3A_121, %add3A_125, %broadcast_in_dim3A_127 : vector<256x1xi1>, vector<256x1xi32>
      %concatenate3A_129 = tpu.concatenate %div3A_46, %div3A_47 in 1 : vector<256x1xf32>, vector<256x1xf32> -> vector<256x2xf32>
      %swap3A_130 = arith.constant 0 : index
      %swap3A_131 = arith.constant 0 : index
      %swap3A_132 = vector.load %arg3[%swap3A_130, %swap3A_131] : memref<256x2xf32, #tpu.memory_space<vmem>>, vector<256x2xf32>
      tpu.vector_store %arg3[%swap3A_130, %swap3A_131], %concatenate3A_129 {strides = array<i32>} : memref<256x2xf32, #tpu.memory_space<vmem>>, vector<256x2xf32>,
      %concatenate3A_133 = tpu.concatenate %select_n3A_118, %select_n3A_128 in 1 : vector<256x1xi32>, vector<256x1xi32> -> vector<256x2xi32>
      %swap3A_134 = arith.constant 0 : index
      %swap3A_135 = arith.constant 0 : index
      %swap3A_136 = vector.load %arg4[%swap3A_134, %swap3A_135] : memref<256x2xi32, #tpu.memory_space<vmem>>, vector<256x2xi32>
      tpu.vector_store %arg4[%swap3A_134, %swap3A_135], %concatenate3A_133 {strides = array<i32>} : memref<256x2xi32, #tpu.memory_space<vmem>>, vector<256x2xi32>,
      %iota3A_137 = tpu.iota {dimensions = array<i32: 1>} : vector<256x8x640xi32>
      %mul3A_138 = arith.constant 640 : i32
      %mul3A_139 = vector.broadcast %mul3A_138 : i32 to vector<256x8x640xi32>
      %mul3A_140 = arith.muli %iota3A_137, %mul3A_139 : vector<256x8x640xi32>
      %iota3A_141 = tpu.iota {dimensions = array<i32: 2>} : vector<256x8x640xi32>
      %add3A_142 = arith.addi %mul3A_140, %iota3A_141 : vector<256x8x640xi32>
      %reshape3A = vector.shape_cast %select_n3A_118 : vector<256x1xi32> to vector<256x1x1xi32>
      %reshape3A_143 = vector.shape_cast %select_n3A_128 : vector<256x1xi32> to vector<256x1x1xi32>
      %eq3A_144 = vector.broadcast %reshape3A : vector<256x1x1xi32> to vector<256x8x640xi32>
      %eq3A_145 = arith.cmpi eq, %add3A_142, %eq3A_144 : vector<256x8x640xi32>
      %reshape3A_146 = vector.shape_cast %div3A_46 : vector<256x1xf32> to vector<256x1x1xf32>
      %jit3A_147 = arith.constant 0.000000e+00 : f32
      %broadcast_in_dim3A_148 = vector.shape_cast %reshape3A_146 : vector<256x1x1xf32> to vector<256x1x1xf32>
      %broadcast_in_dim3A_149 = vector.broadcast %broadcast_in_dim3A_148 : vector<256x1x1xf32> to vector<256x8x640xf32>
      %broadcast_in_dim3A_150 = vector.broadcast %jit3A_147 : f32 to vector<256x8x640xf32>
      %select_n3A_151 = arith.select %eq3A_145, %broadcast_in_dim3A_149, %broadcast_in_dim3A_150 : vector<256x8x640xi1>, vector<256x8x640xf32>
      %eq3A_152 = vector.broadcast %reshape3A_143 : vector<256x1x1xi32> to vector<256x8x640xi32>
      %eq3A_153 = arith.cmpi eq, %add3A_142, %eq3A_152 : vector<256x8x640xi32>
      %reshape3A_154 = vector.shape_cast %div3A_47 : vector<256x1xf32> to vector<256x1x1xf32>
      %jit3A_155 = arith.constant 0.000000e+00 : f32
      %broadcast_in_dim3A_156 = vector.shape_cast %reshape3A_154 : vector<256x1x1xf32> to vector<256x1x1xf32>
      %broadcast_in_dim3A_157 = vector.broadcast %broadcast_in_dim3A_156 : vector<256x1x1xf32> to vector<256x8x640xf32>
      %broadcast_in_dim3A_158 = vector.broadcast %jit3A_155 : f32 to vector<256x8x640xf32>
      %select_n3A_159 = arith.select %eq3A_153, %broadcast_in_dim3A_157, %broadcast_in_dim3A_158 : vector<256x8x640xi1>, vector<256x8x640xf32>
      %add3A_160 = arith.addf %select_n3A_151, %select_n3A_159 : vector<256x8x640xf32>
      %swap3A_161 = arith.constant 0 : index
      %swap3A_162 = arith.constant 0 : index
      %swap3A_163 = arith.constant 0 : index
      %swap3A_164 = vector.load %arg5[%swap3A_161, %swap3A_162, %swap3A_163] : memref<256x8x640xf32, #tpu.memory_space<vmem>>, vector<256x8x640xf32>
      tpu.vector_store %arg5[%swap3A_161, %swap3A_162, %swap3A_163], %add3A_160 {strides = array<i32>} : memref<256x8x640xf32, #tpu.memory_space<vmem>>, vector<256x8x640xf32>,
      %reduce_sum3A_165 = arith.constant dense<0> : vector<8xi32>
      %reduce_sum3A_166 = vector.multi_reduction <add>, %add3A_54, %reduce_sum3A_165 [0] : vector<256x8xi32> to vector<8xi32>
      %broadcast_in_dim3A_167 = vector.shape_cast %reduce_sum3A_166 : vector<8xi32> to vector<1x8xi32>
      %add3A_168 = arith.addi %get3A_95, %broadcast_in_dim3A_167 : vector<1x8xi32>
      %swap3A_169 = arith.constant 0 : index
      %swap3A_170 = arith.constant 0 : index
      %swap3A_171 = vector.load %arg7[%swap3A_169, %swap3A_170] : memref<1x8xi32, #tpu.memory_space<vmem>>, vector<1x8xi32>
      tpu.vector_store %arg7[%swap3A_169, %swap3A_170], %add3A_168 {strides = array<i32>} : memref<1x8xi32, #tpu.memory_space<vmem>>, vector<1x8xi32>,
    } else {
    }
    return
  }
  func.func @transform_0(%arg0: i32) -> (i32, i32) {
    %min3A = arith.constant 7 : i32
    %min3A_0 = arith.minsi %arg0, %min3A : i32
    %c0_i32 = arith.constant 0 : i32
    %c0_i32_1 = arith.constant 0 : i32
    return %min3A_0, %c0_i32 : i32, i32
  }
  func.func @transform_1(%arg0: i32) -> (i32, i32) {
    %c0_i32 = arith.constant 0 : i32
    %c0_i32_0 = arith.constant 0 : i32
    %c0_i32_1 = arith.constant 0 : i32
    return %c0_i32, %c0_i32_0 : i32, i32
  }
  func.func @transform_2(%arg0: i32) -> (i32, i32) {
    %min3A = arith.constant 7 : i32
    %min3A_0 = arith.minsi %arg0, %min3A : i32
    %c0_i32 = arith.constant 0 : i32
    %c0_i32_1 = arith.constant 0 : i32
    return %min3A_0, %c0_i32 : i32, i32
  }
  func.func @transform_3(%arg0: i32) -> (i32, i32) {
    %min3A = arith.constant 7 : i32
    %min3A_0 = arith.minsi %arg0, %min3A : i32
    %c0_i32 = arith.constant 0 : i32
    %c0_i32_1 = arith.constant 0 : i32
    return %min3A_0, %c0_i32 : i32, i32
  }
  func.func @transform_4(%arg0: i32) -> (i32, i32, i32) {
    %min3A = arith.constant 7 : i32
    %min3A_0 = arith.minsi %arg0, %min3A : i32
    %c0_i32 = arith.constant 0 : i32
    %c0_i32_1 = arith.constant 0 : i32
    %c0_i32_2 = arith.constant 0 : i32
    return %min3A_0, %c0_i32, %c0_i32_1 : i32, i32, i32
  }
  func.func @transform_5(%arg0: i32) -> (i32, i32) {
    %c0_i32 = arith.constant 0 : i32
    %c0_i32_0 = arith.constant 0 : i32
    return %arg0, %c0_i32 : i32, i32
  }
}

</mosaic_0001>

<sc_bundles>
// kernel: kernel.4.cloned.1.call-start
scs
__scs_entry_jumppad:
0x0: {  	(pc) =	sbr.rel $0x88, $3  }
0x1: {  	(tag) =	ssettag $0x0;
	lr =	simm.s32 $0x1  }
0x2: {  	[smem:$0x3F9F] =	sst lr;
	_ =	strace $0xD0000000  }
0x3: {  	_ = 	snop  }
0x4: {  	_ = 	snop  }
0x5: {  	_ = 	snop  }
0x6: {  	_ = 	snop  }
0x7: {  	_ = 	snop  }
__scs_overlays_trampoline_lowered:
0x8: {  	[smem:$0x3FAE] =	sst s0  }
0x9: {  	[smem:$0x3FAF] =	sst s1  }
0xa: {  	[smem:$0x3FB0] =	sst s2  }
0xb: {  	[smem:$0x3FB1] =	sst s3  }
0xc: {  	[smem:$0x3FB2] =	sst s4  }
0xd: {  	[smem:$0x3FB3] =	sst s5  }
0xe: {  	[smem:$0x3FB4] =	sst s6  }
0xf: {  	[smem:$0x3FB5] =	sst s7  }
0x10: {  	[smem:$0x3FB6] =	sst s8  }
0x11: {  	[smem:$0x3FB7] =	sst s9;
	s0 =	simm.s32 @!p0 $0x0  }
0x12: {  	s1 =	sld [smem:$0x3F9D];
	s0 =	simm.s32 @p0 $0x1  }
0x13: {  	[smem:$0x3FB8] =	sst s0;
	s0 =	simm.s32 @!p1 $0x0  }
0x14: {  	s2 =	sld [smem:$0x3F9C];
	s0 =	simm.s32 @p1 $0x1  }
0x15: {  	[smem:$0x3FB9] =	sst s0;
	s0 =	simm.s32 @!p2 $0x0  }
0x16: {  	s3 =	sld [smem:$0x3FDB];
	s0 =	simm.s32 @p2 $0x1  }
0x17: {  	s4 =	simm.s32 $0x1BF5;
	[smem:$0x3FBB] =	sst s0  }
0x18: {  	s0 =	sld [smem:$0x3F9E];
	_ =	swait.ge [sflag:s4], $0x0  }
0x19: {  	s7 =	sld [smem:$0x3F9F]  }
0x1a: {  	s8 =	sadd.s32 $0xFFFFE003, lr  }
0x1b: {  	s9 =	sadd.s32 $0xFFFFFEF7, lr;
	s5 =	simm.s32 $0xFFFFFFFF;
	p2 =	slt.u32 s8, $0xFFFFF086  }
0x1c: {  	p1 =	slt.u32 s9, $0xF7A;
	s5 =	simm.s32 @!p2 $0x0  }
0x1d: {  	s5 =	simm.s32 @p1 $0x1;
	p0 =	seq.s32 s7, s2  }
0x1e: {  	s7 =	smul.u32 @!p0 $0xF7A, s2;
	p2 =	seq.s32 @!p0 s5, $0x0  }
0x1f: {  	s9 =	smul.u32 $0xF7A, s1;
	s8 =	simm.s32 @!p0 $0x1BF5;
	p2 =	por !p2, p0  }
0x20: {  	[sflag:s8] =	ssyncset.s32 @!p0 $0xFFFFF086;
	s6 =	sadd.s32 @!p0 s3, s7;
	s7 =	simm.s32 @!p0 $0x108  }
0x21: {  	s3 =	sadd.s32 s3, s9;
	s6 =	sadd.s32 @!p0 $0x88, s6;
	s7 =	simm.s32 @p2 $0x1082  }
0x22: {  	[simem:s7], [sflag:s8] =	dma.local @!p0 [hbm:s6], $0xF7A  }
0x23: {  	s9 =	sor.u32 $0xD0000000, s2;
	s6 =	simm.s32 $0x108;
	_ =	swait.ge @!p0 [sflag:s8], $0x0  }
0x24: {  	s3 =	sadd.s32 $0x88, s3;
	s6 =	simm.s32 @!p1 $0x1082;
	[sflag:s4] =	ssyncset.s32 $0xFFFFF086  }
0x25: {  	[simem:s6], [sflag:s4] =	dma.local [hbm:s3], $0xF7A  }
0x26: {  	[smem:$0x3F9F] =	sst s1;
	(tag) =	ssettag s2;
	_ =	strace s9  }
0x27: {  	s1 =	sld [smem:$0x3FAF]  }
0x28: {  	s2 =	sld [smem:$0x3FB0]  }
0x29: {  	s4 =	sld [smem:$0x3FB2]  }
0x2a: {  	p0 =	seq.s32 s5, $0x0;
	s5 =	sld [smem:$0x3FB3]  }
0x2b: {  	s6 =	sld [smem:$0x3FB4]  }
0x2c: {  	s7 =	sld [smem:$0x3FB5]  }
0x2d: {  	s3 =	simm.s32 $0x108;
	s8 =	sld [smem:$0x3FB6]  }
0x2e: {  	s3 =	simm.s32 @!p0 $0x1082;
	s9 =	sld [smem:$0x3FB7]  }
0x2f: {  	lr =	sadd.s32 s0, s3;
	s0 =	sld [smem:$0x3FAE]  }
0x30: {  	s3 =	sld [smem:$0x3FB1]  }
0x31: {  	[smem:$0x3FBA] =	sst s10  }
0x32: {  	s10 =	sld [smem:$0x3FB8];
	_ =	sdelay $0x3  }
0x33: {  	p0 =	seq.s32 s10, $0x1;
	s10 =	sld [smem:$0x3FBA];
	_ =	sdelay $0x3  }
0x34: {  	[smem:$0x3FBA] =	sst s10  }
0x35: {  	s10 =	sld [smem:$0x3FB9];
	_ =	sdelay $0x3  }
0x36: {  	p1 =	seq.s32 s10, $0x1;
	s10 =	sld [smem:$0x3FBA];
	_ =	sdelay $0x3  }
0x37: {  	[smem:$0x3FBA] =	sst s10  }
0x38: {  	s10 =	sld [smem:$0x3FBB]  }
0x39: {  	_ = 	snop;
	(pc) =	sbr.ind lr, $3  }
0x3a: {  	_ = 	snop  }
0x3b: {  	_ = 	snop  }
0x3c: {  	p2 =	seq.s32 s10, $0x1;
	s10 =	sld [smem:$0x3FBA]  }
0x3d: {  	_ =	shalt  }
0x3e: {  	_ =	shalt  }
0x3f: {  	_ =	shalt  }
0x40: {  	_ =	shalt  }
0x41: {  	_ =	shalt  }
0x42: {  	_ =	shalt  }
0x43: {  	_ =	shalt  }
0x44: {  	_ =	shalt  }
0x45: {  	_ =	shalt  }
0x46: {  	_ =	shalt  }
0x47: {  	_ =	shalt  }
0x48: {  	_ =	shalt  }
0x49: {  	_ =	shalt  }
0x4a: {  	_ =	shalt  }
0x4b: {  	_ =	shalt  }
0x4c: {  	_ =	shalt  }
0x4d: {  	_ =	shalt  }
0x4e: {  	_ =	shalt  }
0x4f: {  	_ =	shalt  }
0x50: {  	_ =	shalt  }
0x51: {  	_ =	shalt  }
0x52: {  	_ =	shalt  }
0x53: {  	_ =	shalt  }
0x54: {  	_ =	shalt  }
0x55: {  	_ =	shalt  }
0x56: {  	_ =	shalt  }
0x57: {  	_ =	shalt  }
0x58: {  	_ =	shalt  }
0x59: {  	_ =	shalt  }
0x5a: {  	_ =	shalt  }
0x5b: {  	_ =	shalt  }
0x5c: {  	_ =	shalt  }
0x5d: {  	_ =	shalt  }
0x5e: {  	_ =	shalt  }
0x5f: {  	_ =	shalt  }
0x60: {  	_ =	shalt  }
0x61: {  	_ =	shalt  }
0x62: {  	_ =	shalt  }
0x63: {  	_ =	shalt  }
0x64: {  	_ =	shalt  }
0x65: {  	_ =	shalt  }
0x66: {  	_ =	shalt  }
0x67: {  	_ =	shalt  }
0x68: {  	_ =	shalt  }
0x69: {  	_ =	shalt  }
0x6a: {  	_ =	shalt  }
0x6b: {  	_ =	shalt  }
0x6c: {  	_ =	shalt  }
0x6d: {  	_ =	shalt  }
0x6e: {  	_ =	shalt  }
0x6f: {  	_ =	shalt  }
0x70: {  	_ =	shalt  }
0x71: {  	_ =	shalt  }
0x72: {  	_ =	shalt  }
0x73: {  	_ =	shalt  }
0x74: {  	_ =	shalt  }
0x75: {  	_ =	shalt  }
0x76: {  	_ =	shalt  }
0x77: {  	_ =	shalt  }
0x78: {  	_ =	shalt  }
0x79: {  	_ =	shalt  }
0x7a: {  	_ =	shalt  }
0x7b: {  	_ =	shalt  }
0x7c: {  	_ =	shalt  }
0x7d: {  	_ =	shalt  }
0x7e: {  	_ =	shalt  }
0x7f: {  	_ =	shalt  }
0x80: {  	_ =	shalt  }
0x81: {  	_ =	shalt  }
0x82: {  	_ =	shalt  }
0x83: {  	_ =	shalt  }
0x84: {  	_ =	shalt  }
0x85: {  	_ =	shalt  }
0x86: {  	_ =	shalt  }
0x87: {  	_ =	shalt  }
.Lfunc_end0:
.L_simem_size_0:
called_computation_lowered:
.L_overlay_start_0:
0x88: {  	s2 =	sld [smem:$0x3FD9]  }
0x89: {  	s3 =	sld [smem:$0x3FFE];
	_ =	sdelay $0x1  }
0x8a: {  	s1 =	srdreg.scid  }
0x8b: {  	s0 =	sand.u32 $0x1, s1  }
0x8c: {  	s14 =	sshll.u32 s0, $0xA;
	s2 =	sadd.s32 s3, s2  }
0x8d: {  	s2 =	sadd.s32 s2, s14  }
0x8e: {  	[smem:$0x3FC6] =	sst s2  }
0x8f: {  	_ = 	snop  }
0x90: {  	s2 =	sld [smem:$0x3FD0];
	_ =	sdelay $0x2  }
0x91: {  	s15 =	simm.s32 $0xA;
	s4 =	simm.s32 $0x10  }
0x92: {  	[smem:s4], [sflag:s15] =	dma.local [hbm:s2], $0x1  }
0x93: {  	_ =	swait.eq [sflag:s15], $0x1  }
0x94: {  	[sflag:s15] =	ssyncset.done $0x0  }
0x95: {  	[sflag:s15] =	ssyncadd.s32 $0xFFFFFFFF  }
0x96: {  	s16 =	sld [smem:$0x12];
	(tm) =	ssettm $0x1  }
0x97: {  	s17 =	sld [smem:$0x3FFB];
	_ =	sdelay $0x3  }
0x98: {  	_ =	strace s17  }
0x99: {  	s3 =	sld [smem:$0x3FFC];
	_ =	sdelay $0x3  }
0x9a: {  	_ =	strace s3  }
0x9b: {  	s3 =	sld [smem:$0x3FFD];
	_ =	sdelay $0x3  }
0x9c: {  	_ =	strace s3  }
0x9d: {  	_ =	strace $0x8FFFFFFF  }
0x9e: {  	s18 =	sld [smem:$0x3FDB];
	_ =	sdelay $0x1  }
0x9f: {  	s19 =	simm.s32 $_scs_section_size  }
0xa0: {  	s5 =	simm.s32 $_size__tile_overlayer_lowered;
	s6 =	simm.s32 $_tile_overlayer_lowered  }
0xa1: {  	s22 =	simm.s32 $0x1BFF;
	s21 =	sshll.u32 s6, $0x1;
	s3 =	sadd.s32 s19, s18  }
0xa2: {  	s7 =	simm.s32 $0x0;
	s20 =	sshll.u32 s5, $0x1;
	s5 =	sadd.s32 s21, s3  }
0xa3: {  	[timem:s7], [sflag:s22] =	dma.local [hbm:s5], s20  }
0xa4: {  	_ =	swait.ge [sflag:s22], s20  }
0xa5: {  	s4 =	ssub.s32 $0x0, s20;
	[sflag:s22] =	ssyncset.done $0x0  }
0xa6: {  	[sflag:s22] =	ssyncadd.s32 s4;
	_ =	sdelay $0x1  }
0xa7: {  	s23 =	simm.s32 $0x1B8B  }
0xa8: {  	_ =	swait.ge [sflag:s23], $0x1  }
0xa9: {  	[sflag:s23] =	ssyncset.done $0x0  }
0xaa: {  	s25 =	simm.s32 $0x1B8E;
	s24 =	sld [smem:$0x3FFE];
	[sflag:s23] =	ssyncadd.s32 $0xFFFFFFFF  }
0xab: {  	s26 =	simm.s32 $execute0_lowered;
	[smem:$0x3FD2] =	sst s25  }
0xac: {  	s5 =	sshll.u32 s26, $0x1;
	_ =	strace $0x80000046;
	[dreg:$0x1] =	wrdreg $0xFFFFFFFF  }
0xad: {  	s28 =	simm.s32 $_size_execute0_lowered;
	s3 =	sadd.s32 s3, s5;
	[dreg:$0x0] =	wrdreg $0x0  }
0xae: {  	s5 =	sshll.u32 s28, $0x1;
	[dreg:$0x2] =	wrdreg s3  }
0xaf: {  	[dreg:$0x3] =	wrdreg s5  }
0xb0: {  	[dreg:$0x4] =	wrdreg $0xC0  }
0xb1: {  	_ =	task [dreg:s7], $0x5FFFF  }
0xb2: {  	[dreg:$0x1] =	wrdreg $0xFFFFFFFF  }
0xb3: {  	[dreg:$0x0] =	wrdreg $0x60  }
0xb4: {  	[dreg:$0x2] =	wrdreg s24  }
0xb5: {  	[dreg:$0x3] =	wrdreg s16  }
0xb6: {  	[dreg:$0x4] =	wrdreg $0x0  }
0xb7: {  	[dreg:$0x5] =	wrdreg $0x9  }
0xb8: {  	_ =	task.clear_ibuf [dreg:s7], $0x6FFFF;
	_ =	strace $0x90000046  }
0xb9: {  	s29 =	simm.s32 $0x9;
	_ =	strace $0x80000048  }
0xba: {  	_ =	swait.ge [sflag:s29], $0x1  }
0xbb: {  	[sflag:s29] =	ssyncadd.s32 $0xFFFFFFFF  }
0xbc: {  	_ =	strace $0x90000048  }
0xbd: {  	_ =	sfence  }
0xbe: {  	s30 =	sld [smem:$0x0];
	_ =	sdelay $0x2  }
0xbf: {  	s31 =	sshll.u32 s1, $0xD;
	s1 =	sshrl.u32 s1, $0x2  }
0xc0: {  	s3 =	sand.u32 $0x4000, s31;
	s1 =	sadd.s32 s1, s30  }
0xc1: {  	s0 =	sor.u32 s3, s0;
	s1 =	sshll.u32 s1, $0x11  }
0xc2: {  	s0 =	sor.u32 s1, s0  }
0xc3: {  	s0 =	sadd.s32 $0x8F2B, s0  }
0xc4: {  	[sflag:s0] =	ssyncadd.remote.s32 $0x1  }
0xc5: {  	_ =	sfence.sel $0xFFFF  }
0xc6: {  	[dreg:$0x0] =	wrdreg $0xFFFFFFFF;
	(pc) =	sbr.abs _section_cstart, $3  }
0xc7: {  	[dreg:$0x1] =	wrdreg $0xFFFFFFFF  }
0xc8: {  	_ =	task.clear_ibuf [dreg:s7], $0x2FFFF;
	_ =	strace $0x9FFFFFFF  }
0xc9: {  	(tm) =	ssettm $0x7FFFFFFF  }
tec
execute0_lowered:
.L_overlay_start_1:
0x0: {  	(tag) =	ssettag $0x1  }
0x1: {  	s6 =	rddreg [dreg:$0x0]  }
0x2: {  	s4 =	rddreg [dreg:$0x1]  }
0x3: {  	s2 =	rddreg [dreg:$0x2];
	s3 =	simm.s32 $0x0;
	s1 =	stileid.u32  }
0x4: {  	s0 =	srdreg.scid;
	s25 =	simm.s32 $0x160;
	s26 =	simm.s32 $0x2E0  }
0x5: {  	s13 =	simm.s32 $0xDE0;
	s14 =	simm.s32 $0x15E0;
	s15 =	simm.s32 $0x1DE0  }
0x6: {  	[smem:$0x7FF] =	sst s3;
	s5 =	smul.u32 $0x160, s1;
	s18 =	sshll.u32 s1, $0x1  }
0x7: {  	s7 =	sshll.u32 s1, $0x8;
	_ =	strace $0x80000047;
	[dreg:$0xb] =	wrdreg s25  }
0x8: {  	s11 =	sshll.u32 s1, $0x5;
	s1 =	simm.s32 $0x360;
	[dreg:$0xc] =	wrdreg s26  }
0x9: {  	s16 =	simm.s32 $0x25E0;
	s17 =	simm.s32 $0x2DE0;
	[dreg:$0xd] =	wrdreg s1  }
0xa: {  	s28 =	simm.s32 $0x1DDE0;
	s29 =	simm.s32 $0x1;
	[dreg:$0x10] =	wrdreg s13  }
0xb: {  	s30 =	simm.s32 $0x2;
	s31 =	simm.s32 $0x3;
	[dreg:$0x11] =	wrdreg s14  }
0xc: {  	s8 =	sadd.s32 $0x36C00, s6;
	s9 =	sand.u32 $0x1, s0;
	[dreg:$0x12] =	wrdreg s15  }
0xd: {  	s10 =	sor.u32 s9, s18;
	s0 =	sor.u32 $0x80, s7;
	[dreg:$0x13] =	wrdreg s16  }
0xe: {  	s11 =	sadd.s32 s8, s11;
	s9 =	ssub.s32 $0x2, s9;
	[dreg:$0x14] =	wrdreg s17  }
0xf: {  	s18 =	simm.s32 $0x35E0;
	s13 =	simm.s32 $0x4DE0;
	[dreg:$0x5] =	wrdreg s11  }
0x10: {  	s16 =	simm.s32 $0x55E0;
	s17 =	simm.s32 $0x5DE0;
	[dreg:$0x15] =	wrdreg s18  }
0x11: {  	s25 =	simm.s32 $0x75E0;
	s26 =	simm.s32 $0x85E0;
	[dreg:$0x18] =	wrdreg s13  }
0x12: {  	s1 =	simm.s32 $0x8DE0;
	s19 =	sadd.s32 s5, s2;
	[dreg:$0x19] =	wrdreg s16  }
0x13: {  	s12 =	sshrl.u32 s0, $0x3;
	s10 =	smul.u32 $0xA0, s10;
	[dreg:$0x1a] =	wrdreg s17  }
0x14: {  	s14 =	sadd.s32 $0x30, s5;
	s15 =	sadd.s32 $0x40, s5;
	[dreg:$0x1d] =	wrdreg s25  }
0x15: {  	s13 =	sadd.s32 $0x90, s5;
	s16 =	sadd.s32 $0xA0, s5;
	[dreg:$0x1f] =	wrdreg s26  }
0x16: {  	s18 =	sadd.s32 $0xD0, s5;
	s17 =	sadd.s32 $0xE0, s5;
	[smem:$0x7E2] =	sst s1  }
0x17: {  	v40 =	vlaneseq.u32;
	s25 =	simm.s32 $0x95E0;
	s26 =	simm.s32 $0x9DE0;
	s1 =	simm.s32 $0xADE0  }
0x18: {  	v30 =	vor.u32 s0, v40;
	s0 =	simm.s32 $0x4;
	[dreg:$0x4] =	wrdreg s19;
	s8 =	sadd.s32 s8, s12  }
0x19: {  	s12 =	sshrl.u32 s9, $0x1;
	s19 =	simm.s32 $0x3DE0;
	[smem:$0x7E3] =	sst s25  }
0x1a: {  	v3 =	vor.u32 s14, v40;
	s14 =	sadd.s32 $0x110, s5;
	[smem:$0x7E4] =	sst s26;
	s25 =	simm.s32 $0xA5E0  }
0x1b: {  	v4 =	vor.u32 s15, v40;
	s15 =	sadd.s32 $0x140, s5;
	[smem:$0x7E6] =	sst s1;
	s26 =	simm.s32 $0xBDE0  }
0x1c: {  	s1 =	simm.s32 $0xC5E0;
	v9 =	vor.u32 s13, v40;
	s13 =	sor.u32 $0x30, s7;
	[dreg:$0x6] =	wrdreg s8  }
0x1d: {  	v10 =	vor.u32 s16, v40;
	s16 =	sor.u32 $0x40, s7;
	v13 =	vor.u32 s18, v40;
	s18 =	sor.u32 $0x70, s7;
	[dreg:$0x16] =	wrdreg s19  }
0x1e: {  	v14 =	vor.u32 s17, v40;
	s17 =	sor.u32 $0x90, s7;
	s20 =	sadd.s32 $0x50, s10;
	[smem:$0x7E5] =	sst s25  }
0x1f: {  	s21 =	sshrl.u32 s10, $0x3;
	s10 =	sadd.s32 s10, s2;
	[smem:$0x7E8] =	sst s26  }
0x20: {  	s19 =	simm.s32 $0x7DE0;
	s25 =	simm.s32 $0xB5E0;
	[smem:$0x7E9] =	sst s1  }
0x21: {  	s26 =	simm.s32 $0xDDE0;
	s1 =	simm.s32 $0xE5E0;
	[dreg:$0x7] =	wrdreg s10  }
0x22: {  	v17 =	vor.u32 s14, v40;
	s14 =	simm.s32 $0x12DE0;
	v20 =	vor.u32 s15, v40;
	s15 =	simm.s32 $0x135E0;
	[dreg:$0x1e] =	wrdreg s19  }
0x23: {  	v25 =	vor.u32 s13, v40;
	v26 =	vor.u32 s16, v40;
	s16 =	simm.s32 $0x15DE0;
	s13 =	simm.s32 $0xF5E0;
	[smem:$0x7E7] =	sst s25  }
0x24: {  	v29 =	vor.u32 s18, v40;
	v31 =	vor.u32 s17, v40;
	s17 =	simm.s32 $0x18DE0;
	s18 =	simm.s32 $0x195E0;
	[smem:$0x7EC] =	sst s26  }
0x25: {  	s11 =	smul.u32 $0x300, s21;
	s22 =	sshrl.u32 s20, $0x3;
	[smem:$0x7ED] =	sst s1  }
0x26: {  	s8 =	sadd.s32 s20, s2;
	s10 =	simm.s32 $0x4E0;
	[smem:$0x7F5] =	sst s14  }
0x27: {  	vm0 =	vmmov $0xffff;
	v38 =	vand.u32 $0x7, v40;
	v39 =	vshrl.u32 v40, $0x3;
	s20 =	simm.s32 $0x45E0;
	s21 =	simm.s32 $0x65E0;
	[smem:$0x7F6] =	sst s15  }
0x28: {  	v22 =	vor.u32 s7, v40;
	v39 =	vmul.u32 $0x8, v39;
	v0 =	vor.u32 s5, v40;
	s19 =	sadd.s32 $0x120, s5;
	s25 =	simm.s32 $0xD5E0;
	[smem:$0x7FB] =	sst s16  }
0x29: {  	v22 =	vshrl.u32 v22, $0x1;
	v0 =	vand.u32 $0xEF, v0;
	v30 =	vshrl.u32 v30, $0x1;
	s26 =	simm.s32 $0x105E0;
	s1 =	simm.s32 $0x10DE0;
	[dreg:$0x8] =	wrdreg s8  }
0x2a: {  	v0 =	vor.u32 $0x800, v0;
	v3 =	vand.u32 $0xFF, v3;
	v4 =	vand.u32 $0xEF, v4;
	s14 =	simm.s32 $0x14DE0;
	s15 =	simm.s32 $0x155E0;
	[dreg:$0xe] =	wrdreg s10  }
0x2b: {  	v9 =	vand.u32 $0xFF, v9;
	v10 =	vand.u32 $0xEF, v10;
	v13 =	vand.u32 $0xFF, v13;
	s16 =	simm.s32 $0x185E0;
	s23 =	smul.u32 $0x300, s22;
	[dreg:$0x17] =	wrdreg s20  }
0x2c: {  	v14 =	vand.u32 $0xEF, v14;
	v3 =	vor.u32 $0x800, v3;
	v4 =	vor.u32 $0x800, v4;
	s8 =	ssub.s32 s9, s12;
	s10 =	sor.u32 $0x10, s5;
	[dreg:$0x1b] =	wrdreg s21  }
0x2d: {  	v9 =	vor.u32 $0x800, v9;
	v10 =	vor.u32 $0x800, v10;
	v13 =	vor.u32 $0x800, v13;
	s9 =	sadd.s32 $0x70, s5;
	s12 =	sadd.s32 $0x80, s5;
	[smem:$0x7EB] =	sst s25  }
0x2e: {  	v14 =	vor.u32 $0x800, v14;
	v17 =	vand.u32 $0xFF, v17;
	v20 =	vand.u32 $0xEF, v20;
	s20 =	sadd.s32 $0xB0, s5;
	s22 =	simm.s32 $0x6DE0;
	[smem:$0x7F0] =	sst s26  }
0x2f: {  	v25 =	vshrl.u32 v25, $0x1;
	v26 =	vshrl.u32 v26, $0x1;
	v29 =	vshrl.u32 v29, $0x1;
	s21 =	sadd.s32 $0xC0, s5;
	s25 =	simm.s32 $0xFDE0;
	[smem:$0x7F1] =	sst s1  }
0x30: {  	v31 =	vshrl.u32 v31, $0x1;
	v18 =	vor.u32 s19, v40;
	s19 =	sor.u32 $0xC0, s7;
	s26 =	simm.s32 $0x11DE0;
	v17 =	vor.u32 $0x800, v17;
	[smem:$0x7F9] =	sst s14  }
0x31: {  	s1 =	simm.s32 $0x125E0;
	v20 =	vor.u32 $0x800, v20;
	[smem:$0x7FA] =	sst s15;
	s15 =	simm.s32 $0x17DE0;
	v1 =	vor.u32 s10, v40;
	v7 =	vor.u32 s9, v40  }
0x32: {  	s24 =	sadd.s32 s4, s11;
	s11 =	simm.s32 $0x560;
	[dreg:$0x1c] =	wrdreg s22;
	v8 =	vor.u32 s12, v40;
	v11 =	vor.u32 s20, v40;
	v12 =	vor.u32 s21, v40  }
0x33: {  	s22 =	sadd.s32 $0xF0, s5;
	s10 =	sadd.s32 $0x100, s5;
	[smem:$0x7EF] =	sst s25;
	v18 =	vand.u32 $0xEF, v18;
	v34 =	vor.u32 s19, v40;
	v1 =	vand.u32 $0xFF, v1  }
0x34: {  	s9 =	sor.u32 $0x10, s7;
	s12 =	sor.u32 $0x20, s7;
	[smem:$0x7F3] =	sst s26;
	v7 =	vand.u32 $0xFF, v7;
	v8 =	vand.u32 $0xEF, v8;
	v11 =	vand.u32 $0xFF, v11  }
0x35: {  	s20 =	sor.u32 $0x50, s7;
	s21 =	sor.u32 $0x60, s7;
	[smem:$0x7F4] =	sst s1;
	v12 =	vand.u32 $0xEF, v12;
	v15 =	vor.u32 s22, v40;
	v16 =	vor.u32 s10, v40  }
0x36: {  	s25 =	simm.s32 $0x115E0;
	s26 =	sor.u32 $0xF0, s7;
	[dreg:$0x9] =	wrdreg s24;
	v18 =	vor.u32 $0x800, v18;
	v23 =	vor.u32 s9, v40;
	v24 =	vor.u32 s12, v40  }
0x37: {  	s1 =	simm.s32 $0x13DE0;
	[dreg:$0xf] =	wrdreg s11;
	s11 =	sadd.s32 $0x20, s5;
	v27 =	vor.u32 s20, v40;
	v28 =	vor.u32 s21, v40;
	v34 =	vshrl.u32 v34, $0x1  }
0x38: {  	s4 =	sadd.s32 s4, s23;
	s23 =	sadd.s32 $0x50, s5;
	s24 =	sadd.s32 $0x60, s5;
	v37 =	vor.u32 s26, v40;
	v2 =	vor.u32 s11, v40;
	v1 =	vor.u32 $0x800, v1  }
0x39: {  	s19 =	simm.s32 $0x19DE0;
	s22 =	sor.u32 $0xA0, s7;
	[smem:$0x7F2] =	sst s25;
	v5 =	vor.u32 s23, v40;
	v6 =	vor.u32 s24, v40;
	v7 =	vor.u32 $0x800, v7  }
0x3a: {  	s25 =	sor.u32 $0xE0, s7;
	[smem:$0x7F7] =	sst s1;
	s9 =	simm.s32 $0x3E0;
	v8 =	vor.u32 $0x800, v8;
	v11 =	vor.u32 $0x800, v11;
	v12 =	vor.u32 $0x800, v12  }
0x3b: {  	s10 =	simm.s32 $0x460;
	s20 =	simm.s32 $0x165E0;
	s21 =	simm.s32 $0x16DE0;
	v15 =	vand.u32 $0xFF, v15;
	v16 =	vand.u32 $0xEF, v16;
	v23 =	vshrl.u32 v23, $0x1  }
0x3c: {  	s12 =	simm.s32 $0x5E0;
	s26 =	simm.s32 $0x1D5E0;
	[dreg:$0xa] =	wrdreg s4;
	v24 =	vshrl.u32 v24, $0x1;
	v27 =	vshrl.u32 v27, $0x1;
	v28 =	vshrl.u32 v28, $0x1  }
0x3d: {  	s4 =	sadd.s32 $0xC00, s6;
	s11 =	sadd.s32 $0x130, s5;
	s5 =	sadd.s32 $0x150, s5;
	v32 =	vor.u32 s22, v40;
	v36 =	vor.u32 s25, v40;
	v37 =	vshrl.u32 v37, $0x1  }
0x3e: {  	s24 =	simm.s32 $0xCDE0;
	s23 =	sor.u32 $0xB0, s7;
	[smem:$0x7FC] =	sst s20;
	v2 =	vand.u32 $0xEF, v2;
	v5 =	vand.u32 $0xFF, v5;
	v6 =	vand.u32 $0xEF, v6  }
0x3f: {  	[smem:$0x7FD] =	sst s21;
	s20 =	simm.s32 $0x1A5E0;
	s21 =	simm.s32 $0x1ADE0;
	v15 =	vor.u32 $0x800, v15;
	v16 =	vor.u32 $0x800, v16;
	v19 =	vor.u32 s11, v40  }
0x40: {  	s22 =	simm.s32 $0x1B5E0;
	s25 =	simm.s32 $0x1CDE0;
	[smem:$0x7EA] =	sst s24;
	v21 =	vor.u32 s5, v40;
	v33 =	vor.u32 s23, v40;
	v32 =	vshrl.u32 v32, $0x1  }
0x41: {  	s24 =	simm.s32 $0xEDE0;
	s5 =	sadd.s32 $0xD00, s6;
	s6 =	sadd.s32 $0xE00, s6;
	v36 =	vshrl.u32 v36, $0x1;
	v2 =	vor.u32 $0x800, v2;
	v5 =	vor.u32 $0x800, v5  }
0x42: {  	s11 =	simm.s32 $0x145E0;
	v6 =	vor.u32 $0x800, v6;
	[smem:$0x7EE] =	sst s24;
	s24 =	sor.u32 $0xD0, s7;
	v19 =	vand.u32 $0xFF, v19;
	v21 =	vand.u32 $0xFF, v21  }
0x43: {  	s23 =	simm.s32 $0x1BDE0;
	s7 =	smax.u32 s8, $0x1;
	[smem:$0x7F8] =	sst s11;
	v33 =	vshrl.u32 v33, $0x1;
	v19 =	vor.u32 $0x800, v19;
	v35 =	vor.u32 s24, v40  }
0x44: {  	s8 =	simm.s32 $0x5;
	s11 =	simm.s32 $0x80;
	v21 =	vor.u32 $0x800, v21;
	s24 =	simm.s32 $0x1C5E0;
	v40 =	vor.u32 $0x8, v40;
	v35 =	vshrl.u32 v35, $0x1  }
.LBB2_1:
0x45: {  	[tilespmem:$0x160] =	vst v0  }
0x46: {  	[tilespmem:$0x170] =	vst v1  }
0x47: {  	[tilespmem:$0x180] =	vst v2  }
0x48: {  	[tilespmem:$0x190] =	vst v3  }
0x49: {  	[tilespmem:$0x1A0] =	vst v4  }
0x4a: {  	[tilespmem:$0x1B0] =	vst v5  }
0x4b: {  	[tilespmem:$0x1C0] =	vst v6  }
0x4c: {  	[tilespmem:$0x1D0] =	vst v7  }
0x4d: {  	[tilespmem:$0x1E0] =	vst v8  }
0x4e: {  	[tilespmem:$0x1F0] =	vst v9  }
0x4f: {  	[tilespmem:$0x200] =	vst v10  }
0x50: {  	[tilespmem:$0x210] =	vst v11  }
0x51: {  	[tilespmem:$0x220] =	vst v12  }
0x52: {  	[tilespmem:$0x230] =	vst v13  }
0x53: {  	[tilespmem:$0x240] =	vst v14  }
0x54: {  	[tilespmem:$0x250] =	vst v15  }
0x55: {  	[tilespmem:$0x260] =	vst v16  }
0x56: {  	[tilespmem:$0x270] =	vst v17  }
0x57: {  	[tilespmem:$0x280] =	vst v18  }
0x58: {  	[tilespmem:$0x290] =	vst v19  }
0x59: {  	s1 =	rddreg [dreg:$0x4];
	[tilespmem:$0x2A0] =	vst v20  }
0x5a: {  	s14 =	rddreg [dreg:$0xb];
	[tilespmem:$0x2B0] =	vst v21  }
0x5b: {  	[spmem:s1] =	stream.linear.scatter [tilespmem:s14], [sflag:$0x5], $0x160, $0x38;
	[tilespmem:$0x1E5E0] =	vst v63  }
0x5c: {  	_ =	swait.ge [sflag:s8], $0x160  }
0x5d: {  	[sflag:s8] =	ssyncset.done $0x0  }
0x5e: {  	[sflag:s8] =	ssyncadd.s32 $0xFFFFFEA0  }
0x5f: {  	[tilespmem:$0x2E0] =	vst v22  }
0x60: {  	[tilespmem:$0x2F0] =	vst v23  }
0x61: {  	[tilespmem:$0x300] =	vst v24  }
0x62: {  	[tilespmem:$0x310] =	vst v25  }
0x63: {  	[tilespmem:$0x320] =	vst v26  }
0x64: {  	[tilespmem:$0x330] =	vst v27  }
0x65: {  	[tilespmem:$0x340] =	vst v28  }
0x66: {  	s14 =	rddreg [dreg:$0x5];
	[tilespmem:$0x350] =	vst v29  }
0x67: {  	[tilespmem:s9], [sflag:$0x5] =	stream.linear.gather [hbm4b:s14+s3], $0x80, $0x38;
	[tilespmem:$0x1E5E0] =	vst v63  }
0x68: {  	_ =	swait.ge [sflag:s8], $0x80  }
0x69: {  	[sflag:s8] =	ssyncset.done $0x0  }
0x6a: {  	[sflag:s8] =	ssyncadd.s32 $0xFFFFFF80  }
0x6b: {  	[tilespmem:$0x360] =	vst v30  }
0x6c: {  	[tilespmem:$0x370] =	vst v31  }
0x6d: {  	[tilespmem:$0x380] =	vst v32  }
0x6e: {  	[tilespmem:$0x390] =	vst v33  }
0x6f: {  	[tilespmem:$0x3A0] =	vst v34  }
0x70: {  	[tilespmem:$0x3B0] =	vst v35  }
0x71: {  	[tilespmem:$0x3C0] =	vst v36  }
0x72: {  	s14 =	rddreg [dreg:$0x6];
	[tilespmem:$0x3D0] =	vst v37  }
0x73: {  	[tilespmem:s10], [sflag:$0x5] =	stream.linear.gather [hbm4b:s14+s3], $0x80, $0x38;
	[tilespmem:$0x1E5E0] =	vst v63  }
0x74: {  	_ =	swait.ge [sflag:s8], $0x80  }
0x75: {  	[sflag:s8] =	ssyncset.done $0x0  }
0x76: {  	[sflag:s8] =	ssyncadd.s32 $0xFFFFFF80  }
0x77: {  	[bflag:$0x0] =	sbarrier.arrive $0xFFFF  }
0x78: {  	s14 =	rddreg [dreg:$0xc]  }
0x79: {  	[spmem:s2] =	stream.indirect.scatter [tilespmem:s14], [sflag:$0x5], $0x1, s9, s11, $0xb8;
	[tilespmem:$0x1E5E0] =	vst v63  }
0x7a: {  	_ =	swait.ge [sflag:s8], $0x80  }
0x7b: {  	[sflag:s8] =	ssyncset.done $0x0  }
0x7c: {  	s14 =	rddreg [dreg:$0xd];
	[sflag:s8] =	ssyncadd.s32 $0xFFFFFF80  }
0x7d: {  	[spmem:s2] =	stream.indirect.scatter [tilespmem:s14], [sflag:$0x5], $0x1, s10, s11, $0xb8;
	[tilespmem:$0x1E5E0] =	vst v63  }
0x7e: {  	_ =	swait.ge [sflag:s8], $0x80  }
0x7f: {  	[sflag:s8] =	ssyncset.done $0x0  }
0x80: {  	[sflag:s8] =	ssyncadd.s32 $0xFFFFFF80  }
0x81: {  	[bflag:$0x0] =	sbarrier.arrive $0xFFFF  }
0x82: {  	s1 =	rddreg [dreg:$0x7]  }
0x83: {  	s14 =	rddreg [dreg:$0xe]  }
0x84: {  	[tilespmem:s14], [sflag:$0x5] =	stream.linear.gather [spmem:s1], $0x50, $0x38;
	[tilespmem:$0x1E5E0] =	vst v63  }
0x85: {  	_ =	swait.ge [sflag:s8], $0x50  }
0x86: {  	s1 =	rddreg [dreg:$0x8];
	[sflag:s8] =	ssyncset.done $0x0  }
0x87: {  	s14 =	rddreg [dreg:$0xf];
	[sflag:s8] =	ssyncadd.s32 $0xFFFFFFB0  }
0x88: {  	[tilespmem:s14], [sflag:$0x5] =	stream.linear.gather [spmem:s1], $0x50, $0x38;
	[tilespmem:$0x1E5E0] =	vst v63  }
0x89: {  	_ =	swait.ge [sflag:s8], $0x50  }
0x8a: {  	[sflag:s8] =	ssyncset.done $0x0  }
0x8b: {  	[sflag:s8] =	ssyncadd.s32 $0xFFFFFFB0  }
0x8c: {  	v41 =	vld [tilespmem:$0x4E0];
	_ =	sdelay $0x4  }
0x8d: {  	v42 =	vshrl.u32 v41, $0x3  }
0x8e: {  	v42 =	vmul.u32 $0x30, v42  }
0x8f: {  	v41 =	vand.u32 $0x7, v41  }
0x90: {  	v41 =	vor.u32 v41, v42  }
0x91: {  	v42 =	vperm.xlane v41, v38;
	_ =	sdelay $0x1  }
0x92: {  	v42 =	vadd.s32 v39, v42;
	_ =	sdelay $0x3  }
0x93: {  	v41 =	vperm.xlane v41, v40  }
0x94: {  	[tilespmem:s12], [sflag:$0x1] =	stream.indirect_vreg.gather [hbm4b:s4+s3], $0x80, v42, vm0, $0xb8;
	[tilespmem:$0x1E5E0] =	vst v63  }
0x95: {  	s1 =	rddreg [dreg:$0x10];
	v41 =	vadd.s32 v39, v41  }
0x96: {  	[tilespmem:s1], [sflag:$0x1] =	stream.indirect_vreg.gather [hbm4b:s5+s3], $0x80, v42, vm0, $0xb8;
	[tilespmem:$0x1E5E0] =	vst v63  }
0x97: {  	s14 =	rddreg [dreg:$0x11]  }
0x98: {  	[tilespmem:s14], [sflag:$0x1] =	stream.indirect_vreg.gather [hbm4b:s6+s3], $0x80, v42, vm0, $0xb8;
	[tilespmem:$0x1E5E0] =	vst v63  }
0x99: {  	s1 =	rddreg [dreg:$0x12]  }
0x9a: {  	[tilespmem:s1], [sflag:$0x1] =	stream.indirect_vreg.gather [hbm4b:s4+s3], $0x80, v41, vm0, $0xb8;
	[tilespmem:$0x1E5E0] =	vst v63  }
0x9b: {  	s14 =	rddreg [dreg:$0x13]  }
0x9c: {  	[tilespmem:s14], [sflag:$0x1] =	stream.indirect_vreg.gather [hbm4b:s5+s3], $0x80, v41, vm0, $0xb8;
	[tilespmem:$0x1E5E0] =	vst v63  }
0x9d: {  	s1 =	rddreg [dreg:$0x14]  }
0x9e: {  	[tilespmem:s1], [sflag:$0x1] =	stream.indirect_vreg.gather [hbm4b:s6+s3], $0x80, v41, vm0, $0xb8;
	[tilespmem:$0x1E5E0] =	vst v63  }
0x9f: {  	v41 =	vld [tilespmem:$0x4F0];
	_ =	sdelay $0x4  }
0xa0: {  	v55 =	vshrl.u32 v41, $0x3  }
0xa1: {  	v42 =	vmul.u32 $0x30, v55  }
0xa2: {  	v41 =	vand.u32 $0x7, v41  }
0xa3: {  	v41 =	vor.u32 v41, v42  }
0xa4: {  	v42 =	vperm.xlane v41, v38;
	_ =	sdelay $0x1  }
0xa5: {  	v42 =	vadd.s32 v39, v42;
	_ =	sdelay $0x3  }
0xa6: {  	s1 =	rddreg [dreg:$0x15];
	v41 =	vperm.xlane v41, v40  }
0xa7: {  	[tilespmem:s1], [sflag:$0x1] =	stream.indirect_vreg.gather [hbm4b:s4+s3], $0x80, v42, vm0, $0xb8;
	[tilespmem:$0x1E5E0] =	vst v63  }
0xa8: {  	s14 =	rddreg [dreg:$0x16];
	v41 =	vadd.s32 v39, v41  }
0xa9: {  	[tilespmem:s14], [sflag:$0x1] =	stream.indirect_vreg.gather [hbm4b:s5+s3], $0x80, v42, vm0, $0xb8;
	[tilespmem:$0x1E5E0] =	vst v63  }
0xaa: {  	s1 =	rddreg [dreg:$0x17]  }
0xab: {  	[tilespmem:s1], [sflag:$0x1] =	stream.indirect_vreg.gather [hbm4b:s6+s3], $0x80, v42, vm0, $0xb8;
	[tilespmem:$0x1E5E0] =	vst v63  }
0xac: {  	s14 =	rddreg [dreg:$0x18]  }
0xad: {  	[tilespmem:s14], [sflag:$0x1] =	stream.indirect_vreg.gather [hbm4b:s4+s3], $0x80, v41, vm0, $0xb8;
	[tilespmem:$0x1E5E0] =	vst v63  }
0xae: {  	s1 =	rddreg [dreg:$0x19]  }
0xaf: {  	[tilespmem:s1], [sflag:$0x1] =	stream.indirect_vreg.gather [hbm4b:s5+s3], $0x80, v41, vm0, $0xb8;
	[tilespmem:$0x1E5E0] =	vst v63  }
0xb0: {  	s14 =	rddreg [dreg:$0x1a]  }
0xb1: {  	[tilespmem:s14], [sflag:$0x1] =	stream.indirect_vreg.gather [hbm4b:s6+s3], $0x80, v41, vm0, $0xb8;
	[tilespmem:$0x1E5E0] =	vst v63  }
0xb2: {  	v41 =	vld [tilespmem:$0x500];
	_ =	sdelay $0x4  }
0xb3: {  	v56 =	vshrl.u32 v41, $0x3  }
0xb4: {  	v42 =	vmul.u32 $0x30, v56  }
0xb5: {  	v41 =	vand.u32 $0x7, v41  }
0xb6: {  	v41 =	vor.u32 v41, v42  }
0xb7: {  	v42 =	vperm.xlane v41, v38;
	_ =	sdelay $0x1  }
0xb8: {  	v42 =	vadd.s32 v39, v42;
	_ =	sdelay $0x2  }
0xb9: {  	s1 =	rddreg [dreg:$0x1b]  }
0xba: {  	s14 =	rddreg [dreg:$0x1c];
	v41 =	vperm.xlane v41, v40  }
0xbb: {  	[tilespmem:s1], [sflag:$0x1] =	stream.indirect_vreg.gather [hbm4b:s4+s3], $0x80, v42, vm0, $0xb8;
	[tilespmem:$0x1E5E0] =	vst v63  }
0xbc: {  	v41 =	vadd.s32 v39, v41;
	s1 =	rddreg [dreg:$0x1d]  }
0xbd: {  	[tilespmem:s14], [sflag:$0x1] =	stream.indirect_vreg.gather [hbm4b:s5+s3], $0x80, v42, vm0, $0xb8;
	[tilespmem:$0x1E5E0] =	vst v63  }
0xbe: {  	s14 =	rddreg [dreg:$0x1e]  }
0xbf: {  	[tilespmem:s1], [sflag:$0x1] =	stream.indirect_vreg.gather [hbm4b:s6+s3], $0x80, v42, vm0, $0xb8;
	[tilespmem:$0x1E5E0] =	vst v63  }
0xc0: {  	s1 =	rddreg [dreg:$0x1f]  }
0xc1: {  	[tilespmem:s14], [sflag:$0x1] =	stream.indirect_vreg.gather [hbm4b:s4+s3], $0x80, v41, vm0, $0xb8;
	[tilespmem:$0x1E5E0] =	vst v63  }
0xc2: {  	s14 =	sld [smem:$0x7E2]  }
0xc3: {  	[tilespmem:s1], [sflag:$0x1] =	stream.indirect_vreg.gather [hbm4b:s5+s3], $0x80, v41, vm0, $0xb8;
	[tilespmem:$0x1E5E0] =	vst v63  }
0xc4: {  	_ = 	snop  }
0xc5: {  	[tilespmem:s14], [sflag:$0x1] =	stream.indirect_vreg.gather [hbm4b:s6+s3], $0x80, v41, vm0, $0xb8;
	[tilespmem:$0x1E5E0] =	vst v63  }
0xc6: {  	v41 =	vld [tilespmem:$0x510];
	_ =	sdelay $0x4  }
0xc7: {  	v57 =	vshrl.u32 v41, $0x3  }
0xc8: {  	v42 =	vmul.u32 $0x30, v57  }
0xc9: {  	v41 =	vand.u32 $0x7, v41  }
0xca: {  	v41 =	vor.u32 v41, v42  }
0xcb: {  	v42 =	vperm.xlane v41, v38;
	_ =	sdelay $0x1  }
0xcc: {  	v42 =	vadd.s32 v39, v42;
	_ =	sdelay $0x1  }
0xcd: {  	s1 =	sld [smem:$0x7E3];
	_ =	sdelay $0x1  }
0xce: {  	s14 =	sld [smem:$0x7E4];
	v41 =	vperm.xlane v41, v40  }
0xcf: {  	[tilespmem:s1], [sflag:$0x1] =	stream.indirect_vreg.gather [hbm4b:s4+s3], $0x80, v42, vm0, $0xb8;
	[tilespmem:$0x1E5E0] =	vst v63  }
0xd0: {  	v41 =	vadd.s32 v39, v41;
	s1 =	sld [smem:$0x7E5]  }
0xd1: {  	[tilespmem:s14], [sflag:$0x1] =	stream.indirect_vreg.gather [hbm4b:s5+s3], $0x80, v42, vm0, $0xb8;
	[tilespmem:$0x1E5E0] =	vst v63  }
0xd2: {  	s14 =	sld [smem:$0x7E6]  }
0xd3: {  	[tilespmem:s1], [sflag:$0x1] =	stream.indirect_vreg.gather [hbm4b:s6+s3], $0x80, v42, vm0, $0xb8;
	[tilespmem:$0x1E5E0] =	vst v63  }
0xd4: {  	s1 =	sld [smem:$0x7E7]  }
0xd5: {  	[tilespmem:s14], [sflag:$0x1] =	stream.indirect_vreg.gather [hbm4b:s4+s3], $0x80, v41, vm0, $0xb8;
	[tilespmem:$0x1E5E0] =	vst v63  }
0xd6: {  	s14 =	sld [smem:$0x7E8]  }
0xd7: {  	[tilespmem:s1], [sflag:$0x1] =	stream.indirect_vreg.gather [hbm4b:s5+s3], $0x80, v41, vm0, $0xb8;
	[tilespmem:$0x1E5E0] =	vst v63  }
0xd8: {  	_ = 	snop  }
0xd9: {  	[tilespmem:s14], [sflag:$0x1] =	stream.indirect_vreg.gather [hbm4b:s6+s3], $0x80, v41, vm0, $0xb8;
	[tilespmem:$0x1E5E0] =	vst v63  }
0xda: {  	v41 =	vld [tilespmem:$0x520];
	_ =	sdelay $0x4  }
0xdb: {  	v58 =	vshrl.u32 v41, $0x3  }
0xdc: {  	v42 =	vmul.u32 $0x30, v58  }
0xdd: {  	v41 =	vand.u32 $0x7, v41  }
0xde: {  	v41 =	vor.u32 v41, v42  }
0xdf: {  	v42 =	vperm.xlane v41, v38;
	_ =	sdelay $0x1  }
0xe0: {  	v42 =	vadd.s32 v39, v42;
	_ =	sdelay $0x1  }
0xe1: {  	s1 =	sld [smem:$0x7E9];
	_ =	sdelay $0x1  }
0xe2: {  	s14 =	sld [smem:$0x7EA];
	v41 =	vperm.xlane v41, v40  }
0xe3: {  	[tilespmem:s1], [sflag:$0x1] =	stream.indirect_vreg.gather [hbm4b:s4+s3], $0x80, v42, vm0, $0xb8;
	[tilespmem:$0x1E5E0] =	vst v63  }
0xe4: {  	v41 =	vadd.s32 v39, v41;
	s1 =	sld [smem:$0x7EB]  }
0xe5: {  	[tilespmem:s14], [sflag:$0x1] =	stream.indirect_vreg.gather [hbm4b:s5+s3], $0x80, v42, vm0, $0xb8;
	[tilespmem:$0x1E5E0] =	vst v63  }
0xe6: {  	s14 =	sld [smem:$0x7EC]  }
0xe7: {  	[tilespmem:s1], [sflag:$0x1] =	stream.indirect_vreg.gather [hbm4b:s6+s3], $0x80, v42, vm0, $0xb8;
	[tilespmem:$0x1E5E0] =	vst v63  }
0xe8: {  	s1 =	sld [smem:$0x7ED]  }
0xe9: {  	[tilespmem:s14], [sflag:$0x1] =	stream.indirect_vreg.gather [hbm4b:s4+s3], $0x80, v41, vm0, $0xb8;
	[tilespmem:$0x1E5E0] =	vst v63  }
0xea: {  	s14 =	sld [smem:$0x7EE]  }
0xeb: {  	[tilespmem:s1], [sflag:$0x1] =	stream.indirect_vreg.gather [hbm4b:s5+s3], $0x80, v41, vm0, $0xb8;
	[tilespmem:$0x1E5E0] =	vst v63  }
0xec: {  	_ = 	snop  }
0xed: {  	[tilespmem:s14], [sflag:$0x1] =	stream.indirect_vreg.gather [hbm4b:s6+s3], $0x80, v41, vm0, $0xb8;
	[tilespmem:$0x1E5E0] =	vst v63  }
0xee: {  	v41 =	vld [tilespmem:$0x560];
	_ =	sdelay $0x4  }
0xef: {  	v59 =	vshrl.u32 v41, $0x3  }
0xf0: {  	v42 =	vmul.u32 $0x30, v59  }
0xf1: {  	v41 =	vand.u32 $0x7, v41  }
0xf2: {  	v41 =	vor.u32 v41, v42  }
0xf3: {  	v42 =	vperm.xlane v41, v38;
	_ =	sdelay $0x1  }
0xf4: {  	v42 =	vadd.s32 v39, v42;
	_ =	sdelay $0x3  }
0xf5: {  	s1 =	sld [smem:$0x7EF];
	v41 =	vperm.xlane v41, v40  }
0xf6: {  	[tilespmem:s13], [sflag:$0x2] =	stream.indirect_vreg.gather [hbm4b:s4+s3], $0x80, v42, vm0, $0xb8;
	[tilespmem:$0x1E5E0] =	vst v63  }
0xf7: {  	s14 =	sld [smem:$0x7F0];
	v41 =	vadd.s32 v39, v41  }
0xf8: {  	[tilespmem:s1], [sflag:$0x2] =	stream.indirect_vreg.gather [hbm4b:s5+s3], $0x80, v42, vm0, $0xb8;
	[tilespmem:$0x1E5E0] =	vst v63  }
0xf9: {  	s1 =	sld [smem:$0x7F1]  }
0xfa: {  	[tilespmem:s14], [sflag:$0x2] =	stream.indirect_vreg.gather [hbm4b:s6+s3], $0x80, v42, vm0, $0xb8;
	[tilespmem:$0x1E5E0] =	vst v63  }
0xfb: {  	s14 =	sld [smem:$0x7F2]  }
0xfc: {  	[tilespmem:s1], [sflag:$0x2] =	stream.indirect_vreg.gather [hbm4b:s4+s3], $0x80, v41, vm0, $0xb8;
	[tilespmem:$0x1E5E0] =	vst v63  }
0xfd: {  	s1 =	sld [smem:$0x7F3]  }
0xfe: {  	[tilespmem:s14], [sflag:$0x2] =	stream.indirect_vreg.gather [hbm4b:s5+s3], $0x80, v41, vm0, $0xb8;
	[tilespmem:$0x1E5E0] =	vst v63  }
0xff: {  	_ = 	snop  }
0x100: {  	[tilespmem:s1], [sflag:$0x2] =	stream.indirect_vreg.gather [hbm4b:s6+s3], $0x80, v41, vm0, $0xb8;
	[tilespmem:$0x1E5E0] =	vst v63  }
0x101: {  	v41 =	vld [tilespmem:$0x570];
	_ =	sdelay $0x4  }
0x102: {  	v60 =	vshrl.u32 v41, $0x3  }
0x103: {  	v42 =	vmul.u32 $0x30, v60  }
0x104: {  	v41 =	vand.u32 $0x7, v41  }
0x105: {  	v41 =	vor.u32 v41, v42  }
0x106: {  	v42 =	vperm.xlane v41, v38;
	_ =	sdelay $0x1  }
0x107: {  	v42 =	vadd.s32 v39, v42;
	_ =	sdelay $0x1  }
0x108: {  	s1 =	sld [smem:$0x7F4];
	_ =	sdelay $0x1  }
0x109: {  	s14 =	sld [smem:$0x7F5];
	v41 =	vperm.xlane v41, v40  }
0x10a: {  	[tilespmem:s1], [sflag:$0x2] =	stream.indirect_vreg.gather [hbm4b:s4+s3], $0x80, v42, vm0, $0xb8;
	[tilespmem:$0x1E5E0] =	vst v63  }
0x10b: {  	v41 =	vadd.s32 v39, v41;
	s1 =	sld [smem:$0x7F6]  }
0x10c: {  	[tilespmem:s14], [sflag:$0x2] =	stream.indirect_vreg.gather [hbm4b:s5+s3], $0x80, v42, vm0, $0xb8;
	[tilespmem:$0x1E5E0] =	vst v63  }
0x10d: {  	s14 =	sld [smem:$0x7F7]  }
0x10e: {  	[tilespmem:s1], [sflag:$0x2] =	stream.indirect_vreg.gather [hbm4b:s6+s3], $0x80, v42, vm0, $0xb8;
	[tilespmem:$0x1E5E0] =	vst v63  }
0x10f: {  	s1 =	sld [smem:$0x7F8]  }
0x110: {  	[tilespmem:s14], [sflag:$0x2] =	stream.indirect_vreg.gather [hbm4b:s4+s3], $0x80, v41, vm0, $0xb8;
	[tilespmem:$0x1E5E0] =	vst v63  }
0x111: {  	s14 =	sld [smem:$0x7F9]  }
0x112: {  	[tilespmem:s1], [sflag:$0x2] =	stream.indirect_vreg.gather [hbm4b:s5+s3], $0x80, v41, vm0, $0xb8;
	[tilespmem:$0x1E5E0] =	vst v63  }
0x113: {  	_ = 	snop  }
0x114: {  	[tilespmem:s14], [sflag:$0x2] =	stream.indirect_vreg.gather [hbm4b:s6+s3], $0x80, v41, vm0, $0xb8;
	[tilespmem:$0x1E5E0] =	vst v63  }
0x115: {  	v41 =	vld [tilespmem:$0x580];
	_ =	sdelay $0x4  }
0x116: {  	v61 =	vshrl.u32 v41, $0x3  }
0x117: {  	v42 =	vmul.u32 $0x30, v61  }
0x118: {  	v41 =	vand.u32 $0x7, v41  }
0x119: {  	v41 =	vor.u32 v41, v42  }
0x11a: {  	v42 =	vperm.xlane v41, v38;
	_ =	sdelay $0x1  }
0x11b: {  	v42 =	vadd.s32 v39, v42;
	_ =	sdelay $0x1  }
0x11c: {  	s1 =	sld [smem:$0x7FA];
	_ =	sdelay $0x1  }
0x11d: {  	s14 =	sld [smem:$0x7FB];
	v41 =	vperm.xlane v41, v40  }
0x11e: {  	[tilespmem:s1], [sflag:$0x2] =	stream.indirect_vreg.gather [hbm4b:s4+s3], $0x80, v42, vm0, $0xb8;
	[tilespmem:$0x1E5E0] =	vst v63  }
0x11f: {  	v41 =	vadd.s32 v39, v41;
	s1 =	sld [smem:$0x7FC]  }
0x120: {  	[tilespmem:s14], [sflag:$0x2] =	stream.indirect_vreg.gather [hbm4b:s5+s3], $0x80, v42, vm0, $0xb8;
	[tilespmem:$0x1E5E0] =	vst v63  }
0x121: {  	s14 =	sld [smem:$0x7FD]  }
0x122: {  	[tilespmem:s1], [sflag:$0x2] =	stream.indirect_vreg.gather [hbm4b:s6+s3], $0x80, v42, vm0, $0xb8;
	[tilespmem:$0x1E5E0] =	vst v63  }
0x123: {  	_ = 	snop  }
0x124: {  	[tilespmem:s14], [sflag:$0x2] =	stream.indirect_vreg.gather [hbm4b:s4+s3], $0x80, v41, vm0, $0xb8;
	[tilespmem:$0x1E5E0] =	vst v63  }
0x125: {  	s14 =	simm.s32 $0x175E0  }
0x126: {  	[tilespmem:s14], [sflag:$0x2] =	stream.indirect_vreg.gather [hbm4b:s5+s3], $0x80, v41, vm0, $0xb8;
	[tilespmem:$0x1E5E0] =	vst v63  }
0x127: {  	_ = 	snop  }
0x128: {  	[tilespmem:s15], [sflag:$0x2] =	stream.indirect_vreg.gather [hbm4b:s6+s3], $0x80, v41, vm0, $0xb8;
	[tilespmem:$0x1E5E0] =	vst v63  }
0x129: {  	v41 =	vld [tilespmem:$0x590];
	_ =	sdelay $0x4  }
0x12a: {  	v62 =	vshrl.u32 v41, $0x3  }
0x12b: {  	v42 =	vmul.u32 $0x30, v62  }
0x12c: {  	v41 =	vand.u32 $0x7, v41  }
0x12d: {  	v41 =	vor.u32 v41, v42  }
0x12e: {  	v42 =	vperm.xlane v41, v38;
	_ =	sdelay $0x1  }
0x12f: {  	v42 =	vadd.s32 v39, v42;
	_ =	sdelay $0x3  }
0x130: {  	v41 =	vperm.xlane v41, v40  }
0x131: {  	[tilespmem:s16], [sflag:$0x2] =	stream.indirect_vreg.gather [hbm4b:s4+s3], $0x80, v42, vm0, $0xb8;
	[tilespmem:$0x1E5E0] =	vst v63  }
0x132: {  	v41 =	vadd.s32 v39, v41  }
0x133: {  	[tilespmem:s17], [sflag:$0x2] =	stream.indirect_vreg.gather [hbm4b:s5+s3], $0x80, v42, vm0, $0xb8;
	[tilespmem:$0x1E5E0] =	vst v63  }
0x134: {  	_ = 	snop  }
0x135: {  	[tilespmem:s18], [sflag:$0x2] =	stream.indirect_vreg.gather [hbm4b:s6+s3], $0x80, v42, vm0, $0xb8;
	[tilespmem:$0x1E5E0] =	vst v63  }
0x136: {  	_ = 	snop  }
0x137: {  	[tilespmem:s19], [sflag:$0x2] =	stream.indirect_vreg.gather [hbm4b:s4+s3], $0x80, v41, vm0, $0xb8;
	[tilespmem:$0x1E5E0] =	vst v63  }
0x138: {  	_ = 	snop  }
0x139: {  	[tilespmem:s20], [sflag:$0x2] =	stream.indirect_vreg.gather [hbm4b:s5+s3], $0x80, v41, vm0, $0xb8;
	[tilespmem:$0x1E5E0] =	vst v63  }
0x13a: {  	_ = 	snop  }
0x13b: {  	[tilespmem:s21], [sflag:$0x2] =	stream.indirect_vreg.gather [hbm4b:s6+s3], $0x80, v41, vm0, $0xb8;
	[tilespmem:$0x1E5E0] =	vst v63  }
0x13c: {  	v41 =	vld [tilespmem:$0x5A0];
	_ =	sdelay $0x4  }
0x13d: {  	v63 =	vshrl.u32 v41, $0x3  }
0x13e: {  	v42 =	vmul.u32 $0x30, v63  }
0x13f: {  	v41 =	vand.u32 $0x7, v41  }
0x140: {  	v41 =	vor.u32 v41, v42  }
0x141: {  	v42 =	vperm.xlane v41, v38;
	_ =	sdelay $0x1  }
0x142: {  	v42 =	vadd.s32 v39, v42;
	_ =	sdelay $0x3  }
0x143: {  	v41 =	vperm.xlane v41, v40  }
0x144: {  	[tilespmem:s22], [sflag:$0x2] =	stream.indirect_vreg.gather [hbm4b:s4+s3], $0x80, v42, vm0, $0xb8;
	[tilespmem:$0x1E5E0] =	vst v63  }
0x145: {  	v41 =	vadd.s32 v39, v41  }
0x146: {  	[tilespmem:s23], [sflag:$0x2] =	stream.indirect_vreg.gather [hbm4b:s5+s3], $0x80, v42, vm0, $0xb8;
	[tilespmem:$0x1E5E0] =	vst v63  }
0x147: {  	_ = 	snop  }
0x148: {  	[tilespmem:s24], [sflag:$0x2] =	stream.indirect_vreg.gather [hbm4b:s6+s3], $0x80, v42, vm0, $0xb8;
	[tilespmem:$0x1E5E0] =	vst v63  }
0x149: {  	_ = 	snop  }
0x14a: {  	[tilespmem:s25], [sflag:$0x2] =	stream.indirect_vreg.gather [hbm4b:s4+s3], $0x80, v41, vm0, $0xb8;
	[tilespmem:$0x1E5E0] =	vst v63  }
0x14b: {  	_ = 	snop  }
0x14c: {  	[tilespmem:s26], [sflag:$0x2] =	stream.indirect_vreg.gather [hbm4b:s5+s3], $0x80, v41, vm0, $0xb8;
	[tilespmem:$0x1E5E0] =	vst v63  }
0x14d: {  	_ = 	snop  }
0x14e: {  	[tilespmem:s28], [sflag:$0x2] =	stream.indirect_vreg.gather [hbm4b:s6+s3], $0x80, v41, vm0, $0xb8;
	[tilespmem:$0x1E5E0] =	vst v63  }
0x14f: {  	_ =	swait.ge [sflag:s29], $0xF000  }
0x150: {  	[sflag:s29] =	ssyncset.done $0x0  }
0x151: {  	s14 =	rddreg [dreg:$0x9];
	[sflag:s29] =	ssyncadd.s32 $0xFFFF1000  }
0x152: {  	[hbm4b:s14+s3] =	stream.linear.scatter [tilespmem:s12], [sflag:$0x3], $0xF000, $0x38;
	[tilespmem:$0x1E5E0] =	vst v63  }
0x153: {  	_ =	swait.ge [sflag:s30], $0xF000  }
0x154: {  	[sflag:s30] =	ssyncset.done $0x0  }
0x155: {  	s14 =	rddreg [dreg:$0xa];
	[sflag:s30] =	ssyncadd.s32 $0xFFFF1000  }
0x156: {  	[hbm4b:s14+s3] =	stream.linear.scatter [tilespmem:s13], [sflag:$0x4], $0xF000, $0x38;
	[tilespmem:$0x1E5E0] =	vst v63  }
0x157: {  	p0 =	sne.s32 s7, $0x1;
	_ =	swait.ge [sflag:s31], $0xF000  }
.Ltmp0:
0x158: {  	[sflag:s31] =	ssyncset.done $0x0;
	(pc) =	sbr.rel @p0 .LBB2_1-.Ltmp0, $4  }
0x159: {  	[sflag:s31] =	ssyncadd.s32 $0xFFFF1000  }
0x15a: {  	_ =	swait.ge [sflag:s0], $0xF000  }
0x15b: {  	[sflag:s0] =	ssyncset.done $0x0  }
0x15c: {  	s7 =	sadd.s32 $0xFFFFFFFF, s7;
	[sflag:s0] =	ssyncadd.s32 $0xFFFF1000  }
0x15d: {  	_ =	sfence.sel $0x180000  }
0x15e: {  	[bflag:$0x0] =	sbarrier.arrive $0xFFFF  }
0x15f: {  	_ =	strace $0x90000047  }
0x160: {  	s0 =	stileid.u32;
	[bflag:$0x2] =	sbarrier.arrive $0xFFFF  }
0x161: {  	p0 =	sne.s32 s0, $0x0;
	s0 =	rddreg [dreg:$0x3]  }
0x162: {  	s0 =	sadd.s32 @!p0 $0x100000, s0  }
0x163: {  	[sflag:s0] =	ssyncadd.tile.s32 @!p0 $0x1;
	_ =	shalt  }
.Lfunc_end2:
_tile_overlayer_lowered:
.L_overlay_start_2:
0x164: {  	(tag) =	ssettag $0x2  }
0x165: {  	s0 =	rddreg [dreg:$0x0];
	s2 =	stileid.u32  }
0x166: {  	s1 =	rddreg [dreg:$0x1];
	p0 =	sne.s32 s2, $0x0  }
0x167: {  	s3 =	rddreg [dreg:$0x2];
	[bflag:$0x3] =	sbarrier.arrive $0xFFFF;
	s2 =	simm.s32 @!p0 $0x1C05  }
0x168: {  	[timem:s3], [sflag:s2] =	dma.local @!p0 [hbm:s0], s1  }
0x169: {  	s0 =	simm.s32 @!p0 $0x5  }
0x16a: {  	_ =	swait.ge @!p0 [sflag:s0], s1  }
0x16b: {  	s1 =	ssub.s32 @!p0 $0x0, s1;
	[sflag:s0] =	ssyncset.done @!p0 $0x0  }
0x16c: {  	[sflag:s0] =	ssyncadd.s32 @!p0 s1  }
0x16d: {  	[bflag:$0x3] =	sbarrier.arrive $0xFFFF  }
0x16e: {  	_ =	shalt  }

</sc_bundles>
